<compile_context>
chip_gen: v7x
topology: tpu7x:2x2x1
jax: 0.10.2.dev20260603
libtpu: 0.0.44.dev20260713+nightly
codegen_flags: <defaults>
</compile_context>

<pallas_src>
import functools

import jax
import jax.numpy as jnp
from jax import lax
from jax.experimental import pallas as pl
from jax.experimental.pallas import tpu as pltpu
from jax.experimental.pallas import tpu_sc as plsc

N = 10000
E = 320000
D = 128
G = 64

NC = 2
NS = 16
NW = NC * NS
CH1 = 128
NB1 = 84
CH3 = 64
NB3 = 165
E_PAD = NW * CH1 * NB1
E_PAD3 = NW * CH3 * NB3
N_PAD = 10112
RPT = N_PAD // NS


def _edge_pass_factory(nbuf, lag, look_i, look_g, ch, nb):

    def body_fn(tab, srcr, dstr, zrows, out, *scr):
        srcb = scr[0:nbuf]
        dstb = scr[nbuf:2 * nbuf]
        rows = scr[2 * nbuf:3 * nbuf]
        acc = scr[3 * nbuf]
        si = scr[3 * nbuf + 1:4 * nbuf + 1]
        sg = scr[4 * nbuf + 1:5 * nbuf + 1]
        ss = scr[5 * nbuf + 1:6 * nbuf + 1]
        c = lax.axis_index("c")
        s = lax.axis_index("s")
        wid = s * NC + c
        pltpu.sync_copy(zrows, acc.at[pl.ds(s * RPT, RPT)])
        plsc.subcore_barrier()

        def idx_load(j, b):
            pltpu.async_copy(srcr.at[wid, j], srcb[b], si[b])
            pltpu.async_copy(dstr.at[wid, j], dstb[b], si[b])

        def idx_wait(b):
            pltpu.make_async_copy(srcr.at[0, 0], srcb[b], si[b]).wait()
            pltpu.make_async_copy(dstr.at[0, 0], dstb[b], si[b]).wait()

        def gather_start(b):
            pltpu.async_copy(tab.at[srcb[b]], rows[b], sg[b])

        def gather_wait(b):
            pltpu.make_async_copy(tab.at[srcb[b]], rows[b], sg[b]).wait()

        def scat_start(b):
            pltpu.async_copy(rows[b], acc.at[dstb[b]], ss[b], add=True)

        def scat_wait(b):
            pltpu.make_async_copy(rows[b], acc.at[dstb[b]], ss[b]).wait()

        for b in range(look_i):
            idx_load(b, b)
        for b in range(look_g):
            idx_wait(b)
            gather_start(b)

        def body(t, carry):
            for b in range(nbuf):
                j = nbuf * t + b
                gather_wait(b)
                scat_start(b)

                @pl.when(j >= lag)
                def _():
                    scat_wait((b + nbuf - lag) % nbuf)

                @pl.when(j + look_i < nb)
                def _():
                    idx_load(j + look_i, (b + look_i) % nbuf)

                @pl.when(j + look_g < nb)
                def _():
                    idx_wait((b + look_g) % nbuf)
                    gather_start((b + look_g) % nbuf)

            return carry

        lax.fori_loop(0, nb // nbuf, body, 0)
        for j in range(nb - lag, nb):
            scat_wait(j % nbuf)
        plsc.subcore_barrier()
        pltpu.sync_copy(acc.at[pl.ds(s * RPT, RPT)], out.at[c, pl.ds(s * RPT, RPT)])

    return body_fn


def _make_edge_pass(d, nbuf, lag, look_i, look_g, ch, nb):
    mesh = plsc.VectorSubcoreMesh(core_axis_name="c", subcore_axis_name="s")
    return pl.kernel(
        _edge_pass_factory(nbuf, lag, look_i, look_g, ch, nb),
        out_type=jax.ShapeDtypeStruct((NC, N_PAD, d), jnp.float32),
        mesh=mesh,
        compiler_params=pltpu.CompilerParams(use_tc_tiling_on_sc=(d % 128 == 0)),
        scratch_types=(
            [pltpu.VMEM((ch,), jnp.int32) for _ in range(2 * nbuf)]
            + [pltpu.VMEM((ch, d), jnp.float32) for _ in range(nbuf)]
            + [pltpu.VMEM_SHARED((N_PAD, d), jnp.float32)]
            + [pltpu.SemaphoreType.DMA for _ in range(3 * nbuf)]
        ),
    )


def _k2_body(s2, x8, wx8, wl0, wr0, b0, g0, be0, h1_out, inv_out):
    s = s2[0] + s2[1]
    cnt = s[:, 2:3]
    inv = 1.0 / jnp.maximum(cnt, 1.0)
    gl = s * inv
    ml = jnp.dot(wx8[...], wl0[...], preferred_element_type=jnp.float32)
    mr = jnp.dot(wx8[...], wr0[...], preferred_element_type=jnp.float32)
    pre = (jnp.dot(gl, ml, preferred_element_type=jnp.float32)
           + jnp.dot(x8[...], mr, preferred_element_type=jnp.float32) + b0[...])
    rows = lax.broadcasted_iota(jnp.int32, (N_PAD, 1), 0)
    maskf = (rows < N).astype(jnp.float32)
    mu = jnp.sum(pre * maskf, axis=0, keepdims=True) / N
    cen = (pre - mu) * maskf
    var = jnp.sum(cen * cen, axis=0, keepdims=True) / N
    h = (pre - mu) / jnp.sqrt(var + 1e-5) * g0[...] + be0[...]
    h1_out[...] = jnp.maximum(h, 0.0) * maskf
    inv_out[...] = inv


NBLK = N_PAD // 8
MX = 512


def _k4_body(m2, h1, inv, batchr, bfc, posr, bfirstg, blastg, wl1, wr1, b1, g1, be1, out):
    agg = (m2[0] + m2[1]) * inv[...]
    pre = (jnp.dot(agg, wl1[...], preferred_element_type=jnp.float32)
           + jnp.dot(h1[...], wr1[...], preferred_element_type=jnp.float32)
           + b1[...])
    rows = lax.broadcasted_iota(jnp.int32, (N_PAD, 1), 0)
    maskf = (rows < N).astype(jnp.float32)
    mu = jnp.sum(pre * maskf, axis=0, keepdims=True) / N
    cen = (pre - mu) * maskf
    var = jnp.sum(cen * cen, axis=0, keepdims=True) / N
    h2 = (pre - mu) / jnp.sqrt(var + 1e-5) * g1[...] + be1[...]

    bid = batchr[...]
    giota = lax.broadcasted_iota(jnp.int32, (G, N_PAD), 0)
    oht = (giota == bid).astype(jnp.float32)
    sums = jnp.dot(oht, h2, preferred_element_type=jnp.float32)
    cnt_g = jnp.sum(oht, axis=1, keepdims=True)
    out[:, pl.ds(0, D)] = sums / jnp.maximum(cnt_g, 1.0)

    bm = jnp.max(h2.reshape(NBLK, 8, D), axis=1)
    bf = bfirstg[...]
    bl = blastg[...]
    sel = (lax.broadcasted_iota(jnp.int32, (MX, N_PAD), 0) == posr[...]).astype(jnp.float32)
    ch = jnp.dot(sel, h2, preferred_element_type=jnp.float32)
    rowsel = jnp.dot(sel, jnp.ones((N_PAD, 1), jnp.float32),
                     preferred_element_type=jnp.float32)
    cidf = jnp.dot(sel, bfc[...], preferred_element_type=jnp.float32) \
        + (1.0 - rowsel) * G
    gcol = lax.broadcasted_iota(jnp.int32, (G, 1), 0)
    ninf = jnp.float32(-jnp.inf)

    def gstep(g, acc):
        pure = jnp.logical_and(bf == g, bl == g)
        mp = jnp.max(jnp.where(pure, bm, ninf), axis=0, keepdims=True)
        mm = jnp.max(jnp.where(cidf == g, ch, ninf), axis=0, keepdims=True)
        return jnp.where(gcol == g, jnp.maximum(mp, mm), acc)

    mx = lax.fori_loop(0, G, gstep, jnp.full((G, D), ninf, jnp.float32))
    out[:, pl.ds(D, D)] = jnp.where(cnt_g > 0.0, mx, 0.0)


_k2 = pl.pallas_call(
    _k2_body,
    out_shape=[jax.ShapeDtypeStruct((N_PAD, D), jnp.float32),
               jax.ShapeDtypeStruct((N_PAD, 1), jnp.float32)],
)

_k4 = pl.pallas_call(
    _k4_body,
    out_shape=jax.ShapeDtypeStruct((G, 2 * D), jnp.float32),
)


@jax.jit
def kernel(node_type, num_inverted_predecessors, edge_index, batch,
           W_enc, b_enc, Wl0, Wr0, b0, Wl1, Wr1, b1, g0, be0, g1, be1):
    f32 = jnp.float32
    nt = node_type.astype(f32)
    ip = num_inverted_predecessors.astype(f32)
    ones_n = jnp.ones((N,), f32)
    zeros_n = jnp.zeros((N,), f32)

    padrow = jnp.zeros((N_PAD - N, 8), f32)
    t8 = jnp.concatenate([jnp.stack([nt, ip, ones_n, zeros_n, zeros_n, zeros_n, zeros_n, zeros_n],
                                    axis=1), padrow], axis=0)
    x8 = t8
    pad_idx = (N + jnp.arange(E_PAD - E, dtype=jnp.int32) % (N_PAD - N)).astype(jnp.int32)
    src = jnp.concatenate([edge_index[0], pad_idx])
    dst = jnp.concatenate([edge_index[1], pad_idx])
    srcr = src.reshape(NW, NB1, CH1)
    dstr = dst.reshape(NW, NB1, CH1)
    wx8 = jnp.concatenate([W_enc, b_enc.reshape(1, D), jnp.zeros((5, D), f32)], axis=0)
    batchp = jnp.concatenate([batch.astype(jnp.int32), jnp.full((N_PAD - N,), G, jnp.int32)])
    batchr = batchp.reshape(1, N_PAD)
    bfc = batchp.astype(f32).reshape(N_PAD, 1)
    batchg = batchp.reshape(NBLK, 8)
    bfirstg = batchg[:, :1]
    blastg = batchg[:, 7:8]
    mixg = (bfirstg != blastg).reshape(NBLK)
    mg = mixg.astype(jnp.int32)
    cb = jnp.cumsum(mg) - mg
    pos = (8 * jnp.repeat(cb, 8) +
           jnp.tile(jnp.arange(8, dtype=jnp.int32), NBLK))
    mixr = jnp.repeat(mixg, 8)
    posr = jnp.where(mixr, pos, 4 * MX).reshape(1, N_PAD)
    z8 = jnp.zeros((RPT, 8), f32)
    z128 = jnp.zeros((RPT, D), f32)

    s2 = _make_edge_pass(8, 6, 3, 3, 2, CH1, NB1)(t8, srcr, dstr, z8)
    h1, inv = _k2(s2, x8, wx8, Wl0, Wr0, b0.reshape(1, D), g0.reshape(1, D), be0.reshape(1, D))
    m2 = _make_edge_pass(D, 3, 1, 2, 1, CH1, NB1)(h1, srcr, dstr, z128)
    out = _k4(m2, h1, inv, batchr, bfc, posr, bfirstg, blastg,
              Wl1, Wr1, b1.reshape(1, D), g1.reshape(1, D), be1.reshape(1, D))
    return out

# --- scband reference (transcript-rebuilt; emitter-appended) ---
"""Pipeline reference for scband-gnn-73512660238839 (READ-ONLY COPY).

The authoritative reference and input builder live on the scoring server;
editing this copy changes nothing except your own understanding.
"""

import jax, jax.numpy as jnp
import numpy as np

N = 10000
E = 320000
D_IN = 128
D_EMB = 128
G = 64


def setup_inputs(seed: int = 0) -> dict:
    key = jax.random.key(seed)
    ks = jax.random.split(key, 16)
    node_type = jax.random.randint(ks[0], (N,), 0, 8)
    num_inverted_predecessors = jax.random.randint(ks[1], (N,), 0, 16)
    edge_index = jax.random.randint(ks[2], (2, E), 0, N)
    batch = jnp.sort(jax.random.randint(ks[3], (N,), 0, G))
    s = 0.02
    W_enc = jax.random.normal(ks[4], (2, D_IN), dtype=jnp.float32) * s
    b_enc = jnp.zeros((D_IN,), dtype=jnp.float32)
    Wl0 = jax.random.normal(ks[5], (D_IN, D_EMB), dtype=jnp.float32) * s
    Wr0 = jax.random.normal(ks[6], (D_IN, D_EMB), dtype=jnp.float32) * s
    b0 = jnp.zeros((D_EMB,), dtype=jnp.float32)
    Wl1 = jax.random.normal(ks[7], (D_EMB, D_EMB), dtype=jnp.float32) * s
    Wr1 = jax.random.normal(ks[8], (D_EMB, D_EMB), dtype=jnp.float32) * s
    b1 = jnp.zeros((D_EMB,), dtype=jnp.float32)
    g0 = jnp.ones((D_EMB,), dtype=jnp.float32)
    be0 = jnp.zeros((D_EMB,), dtype=jnp.float32)
    g1 = jnp.ones((D_EMB,), dtype=jnp.float32)
    be1 = jnp.zeros((D_EMB,), dtype=jnp.float32)
    return {"node_type": node_type, "num_inverted_predecessors": num_inverted_predecessors,
            "edge_index": edge_index, "batch": batch,
            "W_enc": W_enc, "b_enc": b_enc,
            "Wl0": Wl0, "Wr0": Wr0, "b0": b0,
            "Wl1": Wl1, "Wr1": Wr1, "b1": b1,
            "g0": g0, "be0": be0, "g1": g1, "be1": be1}


def _sage(h, src, dst, Wl, Wr, b):
    msg = jnp.take(h, src, axis=0)
    agg = jax.ops.segment_sum(msg, dst, num_segments=N)
    cnt = jax.ops.segment_sum(jnp.ones((E,), h.dtype), dst, num_segments=N)
    agg = agg / jnp.clip(cnt, 1.0)[:, None]
    return agg @ Wl + h @ Wr + b


def _bn(h, gamma, beta):
    mu = jnp.mean(h, axis=0)
    var = jnp.var(h, axis=0)
    return (h - mu) / jnp.sqrt(var + 1e-5) * gamma + beta


def reference(node_type, num_inverted_predecessors, edge_index, batch,
              W_enc, b_enc, Wl0, Wr0, b0, Wl1, Wr1, b1, g0, be0, g1, be1):
    src = edge_index[0]
    dst = edge_index[1]
    x = jnp.concatenate([node_type.reshape(-1, 1), num_inverted_predecessors.reshape(-1, 1)], axis=1).astype(jnp.float32)
    h = x @ W_enc + b_enc
    # layer 0
    h = _sage(h, src, dst, Wl0, Wr0, b0)
    h = _bn(h, g0, be0)
    h = jax.nn.relu(h)
    # layer 1 (last, no relu)
    h = _sage(h, src, dst, Wl1, Wr1, b1)
    h = _bn(h, g1, be1)
    # pooling
    cnt = jax.ops.segment_sum(jnp.ones((N,), h.dtype), batch, num_segments=G)
    h_mean = jax.ops.segment_sum(h, batch, num_segments=G) / jnp.clip(cnt, 1.0)[:, None]
    h_max = jax.ops.segment_max(h, batch, num_segments=G)
    h_max = jnp.where(cnt[:, None] > 0, h_max, 0.0)
    return jnp.concatenate([h_mean, h_max], axis=1)

if __name__ == "__main__":
    import jax
    _d = setup_inputs()
    print(jax.jit(kernel)(*tuple(_d.values())))

</pallas_src>

<mosaic_0001>
#map = affine_map<(d0, d1) -> (0, 0)>
#map1 = affine_map<(d0, d1) -> (0, 0, 0)>
module attributes {stable_mosaic.version = 14 : i64} {
  func.func @body_fn(%arg0: i32, %arg1: i32, %arg2: memref<10112x128xf32, #tpu.memory_space<hbm>>, %arg3: memref<32x84x128xi32, #tpu.memory_space<hbm>>, %arg4: memref<32x84x128xi32, #tpu.memory_space<hbm>>, %arg5: memref<632x128xf32, #tpu.memory_space<hbm>>, %arg6: memref<2x10112x128xf32, #tpu.memory_space<hbm>>, %arg7: memref<128xi32, #tpu.memory_space<vmem>>, %arg8: memref<128xi32, #tpu.memory_space<vmem>>, %arg9: memref<128xi32, #tpu.memory_space<vmem>>, %arg10: memref<128xi32, #tpu.memory_space<vmem>>, %arg11: memref<128xi32, #tpu.memory_space<vmem>>, %arg12: memref<128xi32, #tpu.memory_space<vmem>>, %arg13: memref<128x128xf32, #tpu.memory_space<vmem>>, %arg14: memref<128x128xf32, #tpu.memory_space<vmem>>, %arg15: memref<128x128xf32, #tpu.memory_space<vmem>>, %arg16: memref<10112x128xf32, #tpu.memory_space<vmem_shared>>, %arg17: memref<!tpu.dma_semaphore, #tpu.memory_space<semaphore_mem>>, %arg18: memref<!tpu.dma_semaphore, #tpu.memory_space<semaphore_mem>>, %arg19: memref<!tpu.dma_semaphore, #tpu.memory_space<semaphore_mem>>, %arg20: memref<!tpu.dma_semaphore, #tpu.memory_space<semaphore_mem>>, %arg21: memref<!tpu.dma_semaphore, #tpu.memory_space<semaphore_mem>>, %arg22: memref<!tpu.dma_semaphore, #tpu.memory_space<semaphore_mem>>, %arg23: memref<!tpu.dma_semaphore, #tpu.memory_space<semaphore_mem>>, %arg24: memref<!tpu.dma_semaphore, #tpu.memory_space<semaphore_mem>>, %arg25: memref<!tpu.dma_semaphore, #tpu.memory_space<semaphore_mem>>) attributes {dimension_semantics = [#tpu.dimension_semantics<core_parallel>, #tpu.dimension_semantics<subcore_parallel>], iteration_bounds = array<i64: 2, 16>, scalar_prefetch = 0 : i64, scratch_operands = 19 : i64, tpu.core_type = #tpu.core_type<sc_vector_subcore>, window_params = [{transform_indices = #map}, {transform_indices = #map1}, {transform_indices = #map1}, {transform_indices = #map}, {transform_indices = #map1}]} {
    %mul3A = arith.constant 2 : i32
    %mul3A_0 = arith.muli %arg1, %mul3A : i32
    %add3A = arith.addi %mul3A_0, %arg0 : i32
    %mul3A_1 = arith.constant 632 : i32
    %mul3A_2 = arith.muli %arg1, %mul3A_1 : i32
    "tpu.region"() ({
      %run_scoped3A = tpu.sem_alloc : memref<!tpu.dma_semaphore, #tpu.memory_space<semaphore_mem>>
      %dma_start3A_61 = arith.constant 0 : i32
      %dma_start3A_62 = tpu.memref_slice %arg16[%mul3A_2, %dma_start3A_61] : memref<10112x128xf32, #tpu.memory_space<vmem_shared>> -> memref<632x128xf32, #tpu.memory_space<vmem_shared>>
      tpu.enqueue_dma source(%arg5 : memref<632x128xf32, #tpu.memory_space<hbm>>) target(%dma_start3A_62 : memref<632x128xf32, #tpu.memory_space<vmem_shared>>) target_semaphore(%run_scoped3A : memref<!tpu.dma_semaphore, #tpu.memory_space<semaphore_mem>>)
      %dma_wait3A_63 = arith.constant 0 : i32
      %dma_wait3A_64 = tpu.memref_slice %arg16[%mul3A_2, %dma_wait3A_63] : memref<10112x128xf32, #tpu.memory_space<vmem_shared>> -> memref<632x128xf32, #tpu.memory_space<vmem_shared>>
      tpu.wait_dma2 semaphore(%run_scoped3A : memref<!tpu.dma_semaphore, #tpu.memory_space<semaphore_mem>>) src(%arg5 : memref<632x128xf32, #tpu.memory_space<hbm>>) dst(%dma_wait3A_64 : memref<632x128xf32, #tpu.memory_space<vmem_shared>>)
      tpu.yield
    }) : () -> ()
    %barrier3A = arith.constant 0 : index
    tpu.barrier barrier_id(%barrier3A)
    %dma_start3A = arith.constant 0 : i32
    %dma_start3A_3 = arith.constant 0 : i32
    %dma_start3A_4 = tpu.memref_slice %arg3[%add3A, %dma_start3A, %dma_start3A_3] : memref<32x84x128xi32, #tpu.memory_space<hbm>> -> memref<1x1x128xi32, #tpu.memory_space<hbm>>
    %dma_start3A_5 = tpu.memref_squeeze %dma_start3A_4 : memref<1x1x128xi32, #tpu.memory_space<hbm>> -> memref<128xi32, #tpu.memory_space<hbm>>
    %dma_start3A_6 = arith.constant 0 : i32
    %dma_start3A_7 = tpu.memref_slice %arg3[%add3A, %dma_start3A, %dma_start3A_6] : memref<32x84x128xi32, #tpu.memory_space<hbm>> -> memref<1x1x128xi32, #tpu.memory_space<hbm>>
    %dma_start3A_8 = tpu.memref_squeeze %dma_start3A_7 : memref<1x1x128xi32, #tpu.memory_space<hbm>> -> memref<128xi32, #tpu.memory_space<hbm>>
    tpu.enqueue_dma source(%dma_start3A_8 : memref<128xi32, #tpu.memory_space<hbm>>) target(%arg7 : memref<128xi32, #tpu.memory_space<vmem>>) target_semaphore(%arg17 : memref<!tpu.dma_semaphore, #tpu.memory_space<semaphore_mem>>)
    %dma_start3A_9 = arith.constant 0 : i32
    %dma_start3A_10 = arith.constant 0 : i32
    %dma_start3A_11 = tpu.memref_slice %arg4[%add3A, %dma_start3A_9, %dma_start3A_10] : memref<32x84x128xi32, #tpu.memory_space<hbm>> -> memref<1x1x128xi32, #tpu.memory_space<hbm>>
    %dma_start3A_12 = tpu.memref_squeeze %dma_start3A_11 : memref<1x1x128xi32, #tpu.memory_space<hbm>> -> memref<128xi32, #tpu.memory_space<hbm>>
    %dma_start3A_13 = arith.constant 0 : i32
    %dma_start3A_14 = tpu.memref_slice %arg4[%add3A, %dma_start3A_9, %dma_start3A_13] : memref<32x84x128xi32, #tpu.memory_space<hbm>> -> memref<1x1x128xi32, #tpu.memory_space<hbm>>
    %dma_start3A_15 = tpu.memref_squeeze %dma_start3A_14 : memref<1x1x128xi32, #tpu.memory_space<hbm>> -> memref<128xi32, #tpu.memory_space<hbm>>
    tpu.enqueue_dma source(%dma_start3A_15 : memref<128xi32, #tpu.memory_space<hbm>>) target(%arg10 : memref<128xi32, #tpu.memory_space<vmem>>) target_semaphore(%arg17 : memref<!tpu.dma_semaphore, #tpu.memory_space<semaphore_mem>>)
    %dma_start3A_16 = arith.constant 1 : i32
    %dma_start3A_17 = arith.constant 0 : i32
    %dma_start3A_18 = tpu.memref_slice %arg3[%add3A, %dma_start3A_16, %dma_start3A_17] : memref<32x84x128xi32, #tpu.memory_space<hbm>> -> memref<1x1x128xi32, #tpu.memory_space<hbm>>
    %dma_start3A_19 = tpu.memref_squeeze %dma_start3A_18 : memref<1x1x128xi32, #tpu.memory_space<hbm>> -> memref<128xi32, #tpu.memory_space<hbm>>
    %dma_start3A_20 = arith.constant 0 : i32
    %dma_start3A_21 = tpu.memref_slice %arg3[%add3A, %dma_start3A_16, %dma_start3A_20] : memref<32x84x128xi32, #tpu.memory_space<hbm>> -> memref<1x1x128xi32, #tpu.memory_space<hbm>>
    %dma_start3A_22 = tpu.memref_squeeze %dma_start3A_21 : memref<1x1x128xi32, #tpu.memory_space<hbm>> -> memref<128xi32, #tpu.memory_space<hbm>>
    tpu.enqueue_dma source(%dma_start3A_22 : memref<128xi32, #tpu.memory_space<hbm>>) target(%arg8 : memref<128xi32, #tpu.memory_space<vmem>>) target_semaphore(%arg18 : memref<!tpu.dma_semaphore, #tpu.memory_space<semaphore_mem>>)
    %dma_start3A_23 = arith.constant 1 : i32
    %dma_start3A_24 = arith.constant 0 : i32
    %dma_start3A_25 = tpu.memref_slice %arg4[%add3A, %dma_start3A_23, %dma_start3A_24] : memref<32x84x128xi32, #tpu.memory_space<hbm>> -> memref<1x1x128xi32, #tpu.memory_space<hbm>>
    %dma_start3A_26 = tpu.memref_squeeze %dma_start3A_25 : memref<1x1x128xi32, #tpu.memory_space<hbm>> -> memref<128xi32, #tpu.memory_space<hbm>>
    %dma_start3A_27 = arith.constant 0 : i32
    %dma_start3A_28 = tpu.memref_slice %arg4[%add3A, %dma_start3A_23, %dma_start3A_27] : memref<32x84x128xi32, #tpu.memory_space<hbm>> -> memref<1x1x128xi32, #tpu.memory_space<hbm>>
    %dma_start3A_29 = tpu.memref_squeeze %dma_start3A_28 : memref<1x1x128xi32, #tpu.memory_space<hbm>> -> memref<128xi32, #tpu.memory_space<hbm>>
    tpu.enqueue_dma source(%dma_start3A_29 : memref<128xi32, #tpu.memory_space<hbm>>) target(%arg11 : memref<128xi32, #tpu.memory_space<vmem>>) target_semaphore(%arg18 : memref<!tpu.dma_semaphore, #tpu.memory_space<semaphore_mem>>)
    %dma_wait3A = arith.constant 0 : i32
    %dma_wait3A_30 = arith.constant 0 : i32
    %dma_wait3A_31 = arith.constant 0 : i32
    %dma_wait3A_32 = tpu.memref_slice %arg3[%dma_wait3A, %dma_wait3A_30, %dma_wait3A_31] : memref<32x84x128xi32, #tpu.memory_space<hbm>> -> memref<1x1x128xi32, #tpu.memory_space<hbm>>
    %dma_wait3A_33 = tpu.memref_squeeze %dma_wait3A_32 : memref<1x1x128xi32, #tpu.memory_space<hbm>> -> memref<128xi32, #tpu.memory_space<hbm>>
    %dma_wait3A_34 = arith.constant 0 : i32
    %dma_wait3A_35 = tpu.memref_slice %arg3[%dma_wait3A, %dma_wait3A_30, %dma_wait3A_34] : memref<32x84x128xi32, #tpu.memory_space<hbm>> -> memref<1x1x128xi32, #tpu.memory_space<hbm>>
    %dma_wait3A_36 = tpu.memref_squeeze %dma_wait3A_35 : memref<1x1x128xi32, #tpu.memory_space<hbm>> -> memref<128xi32, #tpu.memory_space<hbm>>
    tpu.wait_dma2 semaphore(%arg17 : memref<!tpu.dma_semaphore, #tpu.memory_space<semaphore_mem>>) src(%dma_wait3A_36 : memref<128xi32, #tpu.memory_space<hbm>>) dst(%arg7 : memref<128xi32, #tpu.memory_space<vmem>>)
    %dma_wait3A_37 = arith.constant 0 : i32
    %dma_wait3A_38 = arith.constant 0 : i32
    %dma_wait3A_39 = arith.constant 0 : i32
    %dma_wait3A_40 = tpu.memref_slice %arg4[%dma_wait3A_37, %dma_wait3A_38, %dma_wait3A_39] : memref<32x84x128xi32, #tpu.memory_space<hbm>> -> memref<1x1x128xi32, #tpu.memory_space<hbm>>
    %dma_wait3A_41 = tpu.memref_squeeze %dma_wait3A_40 : memref<1x1x128xi32, #tpu.memory_space<hbm>> -> memref<128xi32, #tpu.memory_space<hbm>>
    %dma_wait3A_42 = arith.constant 0 : i32
    %dma_wait3A_43 = tpu.memref_slice %arg4[%dma_wait3A_37, %dma_wait3A_38, %dma_wait3A_42] : memref<32x84x128xi32, #tpu.memory_space<hbm>> -> memref<1x1x128xi32, #tpu.memory_space<hbm>>
    %dma_wait3A_44 = tpu.memref_squeeze %dma_wait3A_43 : memref<1x1x128xi32, #tpu.memory_space<hbm>> -> memref<128xi32, #tpu.memory_space<hbm>>
    tpu.wait_dma2 semaphore(%arg17 : memref<!tpu.dma_semaphore, #tpu.memory_space<semaphore_mem>>) src(%dma_wait3A_44 : memref<128xi32, #tpu.memory_space<hbm>>) dst(%arg10 : memref<128xi32, #tpu.memory_space<vmem>>)
    %dma_start3A_45 = arith.constant 0 : i32
    %dma_start3A_46 = arith.constant 0 : i32
    %dma_start3A_47 = tpu.memref_slice %arg2[%dma_start3A_45, %dma_start3A_46] : memref<10112x128xf32, #tpu.memory_space<hbm>> -> memref<10112x128xf32, #tpu.memory_space<hbm>>
    tpu.enqueue_indirect_dma source(%dma_start3A_47 : memref<10112x128xf32, #tpu.memory_space<hbm>>) target(%arg13 : memref<128x128xf32, #tpu.memory_space<vmem>>) offsets(%arg7 : memref<128xi32, #tpu.memory_space<vmem>>) semaphore(%arg20 : memref<!tpu.dma_semaphore, #tpu.memory_space<semaphore_mem>>)
    %scan3A = arith.constant 0 : i32
    %scan3A_48 = arith.constant 0 : i32
    %scan3A_49 = arith.constant 28 : i32
    %scan3A_50 = arith.addi %scan3A_48, %scan3A_49 : i32
    %scan3A_51 = arith.constant 1 : i32
    scf.for %scan3A_61 = %scan3A_48 to %scan3A_50 step %scan3A_51  : i32 {
      %mul3A_62 = arith.constant 3 : i32
      %mul3A_63 = arith.muli %mul3A_62, %scan3A_61 : i32
      %add3A_64 = arith.constant 0 : i32
      %add3A_65 = arith.addi %mul3A_63, %add3A_64 : i32
      %dma_wait3A_66 = arith.constant 0 : i32
      %dma_wait3A_67 = arith.constant 0 : i32
      %dma_wait3A_68 = tpu.memref_slice %arg2[%dma_wait3A_66, %dma_wait3A_67] : memref<10112x128xf32, #tpu.memory_space<hbm>> -> memref<10112x128xf32, #tpu.memory_space<hbm>>
      tpu.wait_indirect_dma semaphore(%arg20 : memref<!tpu.dma_semaphore, #tpu.memory_space<semaphore_mem>>) src(%dma_wait3A_68 : memref<10112x128xf32, #tpu.memory_space<hbm>>) dst(%arg13 : memref<128x128xf32, #tpu.memory_space<vmem>>)
      %dma_start3A_69 = arith.constant 0 : i32
      %dma_start3A_70 = arith.constant 0 : i32
      %dma_start3A_71 = tpu.memref_slice %arg16[%dma_start3A_69, %dma_start3A_70] : memref<10112x128xf32, #tpu.memory_space<vmem_shared>> -> memref<10112x128xf32, #tpu.memory_space<vmem_shared>>
      tpu.enqueue_indirect_dma source(%arg13 : memref<128x128xf32, #tpu.memory_space<vmem>>) target(%dma_start3A_71 : memref<10112x128xf32, #tpu.memory_space<vmem_shared>>) offsets(%arg10 : memref<128xi32, #tpu.memory_space<vmem>>) semaphore(%arg23 : memref<!tpu.dma_semaphore, #tpu.memory_space<semaphore_mem>>) {add = true}
      %ge3A = arith.constant 1 : i32
      %ge3A_72 = arith.cmpi sge, %add3A_65, %ge3A : i32
      %convert_element_type3A = arith.extui %ge3A_72 : i1 to i32
      %cond3A = arith.constant 0 : i32
      %cond3A_73 = arith.cmpi ne, %convert_element_type3A, %cond3A : i32
      scf.if %cond3A_73 {
        %dma_wait3A_145 = arith.constant 0 : i32
        %dma_wait3A_146 = arith.constant 0 : i32
        %dma_wait3A_147 = tpu.memref_slice %arg16[%dma_wait3A_145, %dma_wait3A_146] : memref<10112x128xf32, #tpu.memory_space<vmem_shared>> -> memref<10112x128xf32, #tpu.memory_space<vmem_shared>>
        tpu.wait_indirect_dma semaphore(%arg25 : memref<!tpu.dma_semaphore, #tpu.memory_space<semaphore_mem>>) src(%arg15 : memref<128x128xf32, #tpu.memory_space<vmem>>) dst(%dma_wait3A_147 : memref<10112x128xf32, #tpu.memory_space<vmem_shared>>)
      } else {
      }
      %add3A_74 = arith.constant 2 : i32
      %add3A_75 = arith.addi %add3A_65, %add3A_74 : i32
      %lt3A = arith.constant 84 : i32
      %lt3A_76 = arith.cmpi slt, %add3A_75, %lt3A : i32
      %convert_element_type3A_77 = arith.extui %lt3A_76 : i1 to i32
      %cond3A_78 = arith.constant 0 : i32
      %cond3A_79 = arith.cmpi ne, %convert_element_type3A_77, %cond3A_78 : i32
      scf.if %cond3A_79 {
        %add3A_145 = arith.constant 2 : i32
        %add3A_146 = arith.addi %add3A_65, %add3A_145 : i32
        %dma_start3A_147 = arith.constant 0 : i32
        %dma_start3A_148 = tpu.memref_slice %arg3[%add3A, %add3A_146, %dma_start3A_147] : memref<32x84x128xi32, #tpu.memory_space<hbm>> -> memref<1x1x128xi32, #tpu.memory_space<hbm>>
        %dma_start3A_149 = tpu.memref_squeeze %dma_start3A_148 : memref<1x1x128xi32, #tpu.memory_space<hbm>> -> memref<128xi32, #tpu.memory_space<hbm>>
        %dma_start3A_150 = arith.constant 0 : i32
        %dma_start3A_151 = tpu.memref_slice %arg3[%add3A, %add3A_146, %dma_start3A_150] : memref<32x84x128xi32, #tpu.memory_space<hbm>> -> memref<1x1x128xi32, #tpu.memory_space<hbm>>
        %dma_start3A_152 = tpu.memref_squeeze %dma_start3A_151 : memref<1x1x128xi32, #tpu.memory_space<hbm>> -> memref<128xi32, #tpu.memory_space<hbm>>
        tpu.enqueue_dma source(%dma_start3A_152 : memref<128xi32, #tpu.memory_space<hbm>>) target(%arg9 : memref<128xi32, #tpu.memory_space<vmem>>) target_semaphore(%arg19 : memref<!tpu.dma_semaphore, #tpu.memory_space<semaphore_mem>>)
        %dma_start3A_153 = arith.constant 0 : i32
        %dma_start3A_154 = tpu.memref_slice %arg4[%add3A, %add3A_146, %dma_start3A_153] : memref<32x84x128xi32, #tpu.memory_space<hbm>> -> memref<1x1x128xi32, #tpu.memory_space<hbm>>
        %dma_start3A_155 = tpu.memref_squeeze %dma_start3A_154 : memref<1x1x128xi32, #tpu.memory_space<hbm>> -> memref<128xi32, #tpu.memory_space<hbm>>
        %dma_start3A_156 = arith.constant 0 : i32
        %dma_start3A_157 = tpu.memref_slice %arg4[%add3A, %add3A_146, %dma_start3A_156] : memref<32x84x128xi32, #tpu.memory_space<hbm>> -> memref<1x1x128xi32, #tpu.memory_space<hbm>>
        %dma_start3A_158 = tpu.memref_squeeze %dma_start3A_157 : memref<1x1x128xi32, #tpu.memory_space<hbm>> -> memref<128xi32, #tpu.memory_space<hbm>>
        tpu.enqueue_dma source(%dma_start3A_158 : memref<128xi32, #tpu.memory_space<hbm>>) target(%arg12 : memref<128xi32, #tpu.memory_space<vmem>>) target_semaphore(%arg19 : memref<!tpu.dma_semaphore, #tpu.memory_space<semaphore_mem>>)
      } else {
      }
      %add3A_80 = arith.constant 1 : i32
      %add3A_81 = arith.addi %add3A_65, %add3A_80 : i32
      %lt3A_82 = arith.constant 84 : i32
      %lt3A_83 = arith.cmpi slt, %add3A_81, %lt3A_82 : i32
      %convert_element_type3A_84 = arith.extui %lt3A_83 : i1 to i32
      %cond3A_85 = arith.constant 0 : i32
      %cond3A_86 = arith.cmpi ne, %convert_element_type3A_84, %cond3A_85 : i32
      scf.if %cond3A_86 {
        %dma_wait3A_145 = arith.constant 0 : i32
        %dma_wait3A_146 = arith.constant 0 : i32
        %dma_wait3A_147 = arith.constant 0 : i32
        %dma_wait3A_148 = tpu.memref_slice %arg3[%dma_wait3A_145, %dma_wait3A_146, %dma_wait3A_147] : memref<32x84x128xi32, #tpu.memory_space<hbm>> -> memref<1x1x128xi32, #tpu.memory_space<hbm>>
        %dma_wait3A_149 = tpu.memref_squeeze %dma_wait3A_148 : memref<1x1x128xi32, #tpu.memory_space<hbm>> -> memref<128xi32, #tpu.memory_space<hbm>>
        %dma_wait3A_150 = arith.constant 0 : i32
        %dma_wait3A_151 = tpu.memref_slice %arg3[%dma_wait3A_145, %dma_wait3A_146, %dma_wait3A_150] : memref<32x84x128xi32, #tpu.memory_space<hbm>> -> memref<1x1x128xi32, #tpu.memory_space<hbm>>
        %dma_wait3A_152 = tpu.memref_squeeze %dma_wait3A_151 : memref<1x1x128xi32, #tpu.memory_space<hbm>> -> memref<128xi32, #tpu.memory_space<hbm>>
        tpu.wait_dma2 semaphore(%arg18 : memref<!tpu.dma_semaphore, #tpu.memory_space<semaphore_mem>>) src(%dma_wait3A_152 : memref<128xi32, #tpu.memory_space<hbm>>) dst(%arg8 : memref<128xi32, #tpu.memory_space<vmem>>)
        %dma_wait3A_153 = arith.constant 0 : i32
        %dma_wait3A_154 = arith.constant 0 : i32
        %dma_wait3A_155 = arith.constant 0 : i32
        %dma_wait3A_156 = tpu.memref_slice %arg4[%dma_wait3A_153, %dma_wait3A_154, %dma_wait3A_155] : memref<32x84x128xi32, #tpu.memory_space<hbm>> -> memref<1x1x128xi32, #tpu.memory_space<hbm>>
        %dma_wait3A_157 = tpu.memref_squeeze %dma_wait3A_156 : memref<1x1x128xi32, #tpu.memory_space<hbm>> -> memref<128xi32, #tpu.memory_space<hbm>>
        %dma_wait3A_158 = arith.constant 0 : i32
        %dma_wait3A_159 = tpu.memref_slice %arg4[%dma_wait3A_153, %dma_wait3A_154, %dma_wait3A_158] : memref<32x84x128xi32, #tpu.memory_space<hbm>> -> memref<1x1x128xi32, #tpu.memory_space<hbm>>
        %dma_wait3A_160 = tpu.memref_squeeze %dma_wait3A_159 : memref<1x1x128xi32, #tpu.memory_space<hbm>> -> memref<128xi32, #tpu.memory_space<hbm>>
        tpu.wait_dma2 semaphore(%arg18 : memref<!tpu.dma_semaphore, #tpu.memory_space<semaphore_mem>>) src(%dma_wait3A_160 : memref<128xi32, #tpu.memory_space<hbm>>) dst(%arg11 : memref<128xi32, #tpu.memory_space<vmem>>)
        %dma_start3A_161 = arith.constant 0 : i32
        %dma_start3A_162 = arith.constant 0 : i32
        %dma_start3A_163 = tpu.memref_slice %arg2[%dma_start3A_161, %dma_start3A_162] : memref<10112x128xf32, #tpu.memory_space<hbm>> -> memref<10112x128xf32, #tpu.memory_space<hbm>>
        tpu.enqueue_indirect_dma source(%dma_start3A_163 : memref<10112x128xf32, #tpu.memory_space<hbm>>) target(%arg14 : memref<128x128xf32, #tpu.memory_space<vmem>>) offsets(%arg8 : memref<128xi32, #tpu.memory_space<vmem>>) semaphore(%arg21 : memref<!tpu.dma_semaphore, #tpu.memory_space<semaphore_mem>>)
      } else {
      }
      %mul3A_87 = arith.constant 3 : i32
      %mul3A_88 = arith.muli %mul3A_87, %scan3A_61 : i32
      %add3A_89 = arith.constant 1 : i32
      %add3A_90 = arith.addi %mul3A_88, %add3A_89 : i32
      %dma_wait3A_91 = arith.constant 0 : i32
      %dma_wait3A_92 = arith.constant 0 : i32
      %dma_wait3A_93 = tpu.memref_slice %arg2[%dma_wait3A_91, %dma_wait3A_92] : memref<10112x128xf32, #tpu.memory_space<hbm>> -> memref<10112x128xf32, #tpu.memory_space<hbm>>
      tpu.wait_indirect_dma semaphore(%arg21 : memref<!tpu.dma_semaphore, #tpu.memory_space<semaphore_mem>>) src(%dma_wait3A_93 : memref<10112x128xf32, #tpu.memory_space<hbm>>) dst(%arg14 : memref<128x128xf32, #tpu.memory_space<vmem>>)
      %dma_start3A_94 = arith.constant 0 : i32
      %dma_start3A_95 = arith.constant 0 : i32
      %dma_start3A_96 = tpu.memref_slice %arg16[%dma_start3A_94, %dma_start3A_95] : memref<10112x128xf32, #tpu.memory_space<vmem_shared>> -> memref<10112x128xf32, #tpu.memory_space<vmem_shared>>
      tpu.enqueue_indirect_dma source(%arg14 : memref<128x128xf32, #tpu.memory_space<vmem>>) target(%dma_start3A_96 : memref<10112x128xf32, #tpu.memory_space<vmem_shared>>) offsets(%arg11 : memref<128xi32, #tpu.memory_space<vmem>>) semaphore(%arg24 : memref<!tpu.dma_semaphore, #tpu.memory_space<semaphore_mem>>) {add = true}
      %ge3A_97 = arith.constant 1 : i32
      %ge3A_98 = arith.cmpi sge, %add3A_90, %ge3A_97 : i32
      %convert_element_type3A_99 = arith.extui %ge3A_98 : i1 to i32
      %cond3A_100 = arith.constant 0 : i32
      %cond3A_101 = arith.cmpi ne, %convert_element_type3A_99, %cond3A_100 : i32
      scf.if %cond3A_101 {
        %dma_wait3A_145 = arith.constant 0 : i32
        %dma_wait3A_146 = arith.constant 0 : i32
        %dma_wait3A_147 = tpu.memref_slice %arg16[%dma_wait3A_145, %dma_wait3A_146] : memref<10112x128xf32, #tpu.memory_space<vmem_shared>> -> memref<10112x128xf32, #tpu.memory_space<vmem_shared>>
        tpu.wait_indirect_dma semaphore(%arg23 : memref<!tpu.dma_semaphore, #tpu.memory_space<semaphore_mem>>) src(%arg13 : memref<128x128xf32, #tpu.memory_space<vmem>>) dst(%dma_wait3A_147 : memref<10112x128xf32, #tpu.memory_space<vmem_shared>>)
      } else {
      }
      %add3A_102 = arith.constant 2 : i32
      %add3A_103 = arith.addi %add3A_90, %add3A_102 : i32
      %lt3A_104 = arith.constant 84 : i32
      %lt3A_105 = arith.cmpi slt, %add3A_103, %lt3A_104 : i32
      %convert_element_type3A_106 = arith.extui %lt3A_105 : i1 to i32
      %cond3A_107 = arith.constant 0 : i32
      %cond3A_108 = arith.cmpi ne, %convert_element_type3A_106, %cond3A_107 : i32
      scf.if %cond3A_108 {
        %add3A_145 = arith.constant 2 : i32
        %add3A_146 = arith.addi %add3A_90, %add3A_145 : i32
        %dma_start3A_147 = arith.constant 0 : i32
        %dma_start3A_148 = tpu.memref_slice %arg3[%add3A, %add3A_146, %dma_start3A_147] : memref<32x84x128xi32, #tpu.memory_space<hbm>> -> memref<1x1x128xi32, #tpu.memory_space<hbm>>
        %dma_start3A_149 = tpu.memref_squeeze %dma_start3A_148 : memref<1x1x128xi32, #tpu.memory_space<hbm>> -> memref<128xi32, #tpu.memory_space<hbm>>
        %dma_start3A_150 = arith.constant 0 : i32
        %dma_start3A_151 = tpu.memref_slice %arg3[%add3A, %add3A_146, %dma_start3A_150] : memref<32x84x128xi32, #tpu.memory_space<hbm>> -> memref<1x1x128xi32, #tpu.memory_space<hbm>>
        %dma_start3A_152 = tpu.memref_squeeze %dma_start3A_151 : memref<1x1x128xi32, #tpu.memory_space<hbm>> -> memref<128xi32, #tpu.memory_space<hbm>>
        tpu.enqueue_dma source(%dma_start3A_152 : memref<128xi32, #tpu.memory_space<hbm>>) target(%arg7 : memref<128xi32, #tpu.memory_space<vmem>>) target_semaphore(%arg17 : memref<!tpu.dma_semaphore, #tpu.memory_space<semaphore_mem>>)
        %dma_start3A_153 = arith.constant 0 : i32
        %dma_start3A_154 = tpu.memref_slice %arg4[%add3A, %add3A_146, %dma_start3A_153] : memref<32x84x128xi32, #tpu.memory_space<hbm>> -> memref<1x1x128xi32, #tpu.memory_space<hbm>>
        %dma_start3A_155 = tpu.memref_squeeze %dma_start3A_154 : memref<1x1x128xi32, #tpu.memory_space<hbm>> -> memref<128xi32, #tpu.memory_space<hbm>>
        %dma_start3A_156 = arith.constant 0 : i32
        %dma_start3A_157 = tpu.memref_slice %arg4[%add3A, %add3A_146, %dma_start3A_156] : memref<32x84x128xi32, #tpu.memory_space<hbm>> -> memref<1x1x128xi32, #tpu.memory_space<hbm>>
        %dma_start3A_158 = tpu.memref_squeeze %dma_start3A_157 : memref<1x1x128xi32, #tpu.memory_space<hbm>> -> memref<128xi32, #tpu.memory_space<hbm>>
        tpu.enqueue_dma source(%dma_start3A_158 : memref<128xi32, #tpu.memory_space<hbm>>) target(%arg10 : memref<128xi32, #tpu.memory_space<vmem>>) target_semaphore(%arg17 : memref<!tpu.dma_semaphore, #tpu.memory_space<semaphore_mem>>)
      } else {
      }
      %add3A_109 = arith.constant 1 : i32
      %add3A_110 = arith.addi %add3A_90, %add3A_109 : i32
      %lt3A_111 = arith.constant 84 : i32
      %lt3A_112 = arith.cmpi slt, %add3A_110, %lt3A_111 : i32
      %convert_element_type3A_113 = arith.extui %lt3A_112 : i1 to i32
      %cond3A_114 = arith.constant 0 : i32
      %cond3A_115 = arith.cmpi ne, %convert_element_type3A_113, %cond3A_114 : i32
      scf.if %cond3A_115 {
        %dma_wait3A_145 = arith.constant 0 : i32
        %dma_wait3A_146 = arith.constant 0 : i32
        %dma_wait3A_147 = arith.constant 0 : i32
        %dma_wait3A_148 = tpu.memref_slice %arg3[%dma_wait3A_145, %dma_wait3A_146, %dma_wait3A_147] : memref<32x84x128xi32, #tpu.memory_space<hbm>> -> memref<1x1x128xi32, #tpu.memory_space<hbm>>
        %dma_wait3A_149 = tpu.memref_squeeze %dma_wait3A_148 : memref<1x1x128xi32, #tpu.memory_space<hbm>> -> memref<128xi32, #tpu.memory_space<hbm>>
        %dma_wait3A_150 = arith.constant 0 : i32
        %dma_wait3A_151 = tpu.memref_slice %arg3[%dma_wait3A_145, %dma_wait3A_146, %dma_wait3A_150] : memref<32x84x128xi32, #tpu.memory_space<hbm>> -> memref<1x1x128xi32, #tpu.memory_space<hbm>>
        %dma_wait3A_152 = tpu.memref_squeeze %dma_wait3A_151 : memref<1x1x128xi32, #tpu.memory_space<hbm>> -> memref<128xi32, #tpu.memory_space<hbm>>
        tpu.wait_dma2 semaphore(%arg19 : memref<!tpu.dma_semaphore, #tpu.memory_space<semaphore_mem>>) src(%dma_wait3A_152 : memref<128xi32, #tpu.memory_space<hbm>>) dst(%arg9 : memref<128xi32, #tpu.memory_space<vmem>>)
        %dma_wait3A_153 = arith.constant 0 : i32
        %dma_wait3A_154 = arith.constant 0 : i32
        %dma_wait3A_155 = arith.constant 0 : i32
        %dma_wait3A_156 = tpu.memref_slice %arg4[%dma_wait3A_153, %dma_wait3A_154, %dma_wait3A_155] : memref<32x84x128xi32, #tpu.memory_space<hbm>> -> memref<1x1x128xi32, #tpu.memory_space<hbm>>
        %dma_wait3A_157 = tpu.memref_squeeze %dma_wait3A_156 : memref<1x1x128xi32, #tpu.memory_space<hbm>> -> memref<128xi32, #tpu.memory_space<hbm>>
        %dma_wait3A_158 = arith.constant 0 : i32
        %dma_wait3A_159 = tpu.memref_slice %arg4[%dma_wait3A_153, %dma_wait3A_154, %dma_wait3A_158] : memref<32x84x128xi32, #tpu.memory_space<hbm>> -> memref<1x1x128xi32, #tpu.memory_space<hbm>>
        %dma_wait3A_160 = tpu.memref_squeeze %dma_wait3A_159 : memref<1x1x128xi32, #tpu.memory_space<hbm>> -> memref<128xi32, #tpu.memory_space<hbm>>
        tpu.wait_dma2 semaphore(%arg19 : memref<!tpu.dma_semaphore, #tpu.memory_space<semaphore_mem>>) src(%dma_wait3A_160 : memref<128xi32, #tpu.memory_space<hbm>>) dst(%arg12 : memref<128xi32, #tpu.memory_space<vmem>>)
        %dma_start3A_161 = arith.constant 0 : i32
        %dma_start3A_162 = arith.constant 0 : i32
        %dma_start3A_163 = tpu.memref_slice %arg2[%dma_start3A_161, %dma_start3A_162] : memref<10112x128xf32, #tpu.memory_space<hbm>> -> memref<10112x128xf32, #tpu.memory_space<hbm>>
        tpu.enqueue_indirect_dma source(%dma_start3A_163 : memref<10112x128xf32, #tpu.memory_space<hbm>>) target(%arg15 : memref<128x128xf32, #tpu.memory_space<vmem>>) offsets(%arg9 : memref<128xi32, #tpu.memory_space<vmem>>) semaphore(%arg22 : memref<!tpu.dma_semaphore, #tpu.memory_space<semaphore_mem>>)
      } else {
      }
      %mul3A_116 = arith.constant 3 : i32
      %mul3A_117 = arith.muli %mul3A_116, %scan3A_61 : i32
      %add3A_118 = arith.constant 2 : i32
      %add3A_119 = arith.addi %mul3A_117, %add3A_118 : i32
      %dma_wait3A_120 = arith.constant 0 : i32
      %dma_wait3A_121 = arith.constant 0 : i32
      %dma_wait3A_122 = tpu.memref_slice %arg2[%dma_wait3A_120, %dma_wait3A_121] : memref<10112x128xf32, #tpu.memory_space<hbm>> -> memref<10112x128xf32, #tpu.memory_space<hbm>>
      tpu.wait_indirect_dma semaphore(%arg22 : memref<!tpu.dma_semaphore, #tpu.memory_space<semaphore_mem>>) src(%dma_wait3A_122 : memref<10112x128xf32, #tpu.memory_space<hbm>>) dst(%arg15 : memref<128x128xf32, #tpu.memory_space<vmem>>)
      %dma_start3A_123 = arith.constant 0 : i32
      %dma_start3A_124 = arith.constant 0 : i32
      %dma_start3A_125 = tpu.memref_slice %arg16[%dma_start3A_123, %dma_start3A_124] : memref<10112x128xf32, #tpu.memory_space<vmem_shared>> -> memref<10112x128xf32, #tpu.memory_space<vmem_shared>>
      tpu.enqueue_indirect_dma source(%arg15 : memref<128x128xf32, #tpu.memory_space<vmem>>) target(%dma_start3A_125 : memref<10112x128xf32, #tpu.memory_space<vmem_shared>>) offsets(%arg12 : memref<128xi32, #tpu.memory_space<vmem>>) semaphore(%arg25 : memref<!tpu.dma_semaphore, #tpu.memory_space<semaphore_mem>>) {add = true}
      %ge3A_126 = arith.constant 1 : i32
      %ge3A_127 = arith.cmpi sge, %add3A_119, %ge3A_126 : i32
      %convert_element_type3A_128 = arith.extui %ge3A_127 : i1 to i32
      %cond3A_129 = arith.constant 0 : i32
      %cond3A_130 = arith.cmpi ne, %convert_element_type3A_128, %cond3A_129 : i32
      scf.if %cond3A_130 {
        %dma_wait3A_145 = arith.constant 0 : i32
        %dma_wait3A_146 = arith.constant 0 : i32
        %dma_wait3A_147 = tpu.memref_slice %arg16[%dma_wait3A_145, %dma_wait3A_146] : memref<10112x128xf32, #tpu.memory_space<vmem_shared>> -> memref<10112x128xf32, #tpu.memory_space<vmem_shared>>
        tpu.wait_indirect_dma semaphore(%arg24 : memref<!tpu.dma_semaphore, #tpu.memory_space<semaphore_mem>>) src(%arg14 : memref<128x128xf32, #tpu.memory_space<vmem>>) dst(%dma_wait3A_147 : memref<10112x128xf32, #tpu.memory_space<vmem_shared>>)
      } else {
      }
      %add3A_131 = arith.constant 2 : i32
      %add3A_132 = arith.addi %add3A_119, %add3A_131 : i32
      %lt3A_133 = arith.constant 84 : i32
      %lt3A_134 = arith.cmpi slt, %add3A_132, %lt3A_133 : i32
      %convert_element_type3A_135 = arith.extui %lt3A_134 : i1 to i32
      %cond3A_136 = arith.constant 0 : i32
      %cond3A_137 = arith.cmpi ne, %convert_element_type3A_135, %cond3A_136 : i32
      scf.if %cond3A_137 {
        %add3A_145 = arith.constant 2 : i32
        %add3A_146 = arith.addi %add3A_119, %add3A_145 : i32
        %dma_start3A_147 = arith.constant 0 : i32
        %dma_start3A_148 = tpu.memref_slice %arg3[%add3A, %add3A_146, %dma_start3A_147] : memref<32x84x128xi32, #tpu.memory_space<hbm>> -> memref<1x1x128xi32, #tpu.memory_space<hbm>>
        %dma_start3A_149 = tpu.memref_squeeze %dma_start3A_148 : memref<1x1x128xi32, #tpu.memory_space<hbm>> -> memref<128xi32, #tpu.memory_space<hbm>>
        %dma_start3A_150 = arith.constant 0 : i32
        %dma_start3A_151 = tpu.memref_slice %arg3[%add3A, %add3A_146, %dma_start3A_150] : memref<32x84x128xi32, #tpu.memory_space<hbm>> -> memref<1x1x128xi32, #tpu.memory_space<hbm>>
        %dma_start3A_152 = tpu.memref_squeeze %dma_start3A_151 : memref<1x1x128xi32, #tpu.memory_space<hbm>> -> memref<128xi32, #tpu.memory_space<hbm>>
        tpu.enqueue_dma source(%dma_start3A_152 : memref<128xi32, #tpu.memory_space<hbm>>) target(%arg8 : memref<128xi32, #tpu.memory_space<vmem>>) target_semaphore(%arg18 : memref<!tpu.dma_semaphore, #tpu.memory_space<semaphore_mem>>)
        %dma_start3A_153 = arith.constant 0 : i32
        %dma_start3A_154 = tpu.memref_slice %arg4[%add3A, %add3A_146, %dma_start3A_153] : memref<32x84x128xi32, #tpu.memory_space<hbm>> -> memref<1x1x128xi32, #tpu.memory_space<hbm>>
        %dma_start3A_155 = tpu.memref_squeeze %dma_start3A_154 : memref<1x1x128xi32, #tpu.memory_space<hbm>> -> memref<128xi32, #tpu.memory_space<hbm>>
        %dma_start3A_156 = arith.constant 0 : i32
        %dma_start3A_157 = tpu.memref_slice %arg4[%add3A, %add3A_146, %dma_start3A_156] : memref<32x84x128xi32, #tpu.memory_space<hbm>> -> memref<1x1x128xi32, #tpu.memory_space<hbm>>
        %dma_start3A_158 = tpu.memref_squeeze %dma_start3A_157 : memref<1x1x128xi32, #tpu.memory_space<hbm>> -> memref<128xi32, #tpu.memory_space<hbm>>
        tpu.enqueue_dma source(%dma_start3A_158 : memref<128xi32, #tpu.memory_space<hbm>>) target(%arg11 : memref<128xi32, #tpu.memory_space<vmem>>) target_semaphore(%arg18 : memref<!tpu.dma_semaphore, #tpu.memory_space<semaphore_mem>>)
      } else {
      }
      %add3A_138 = arith.constant 1 : i32
      %add3A_139 = arith.addi %add3A_119, %add3A_138 : i32
      %lt3A_140 = arith.constant 84 : i32
      %lt3A_141 = arith.cmpi slt, %add3A_139, %lt3A_140 : i32
      %convert_element_type3A_142 = arith.extui %lt3A_141 : i1 to i32
      %cond3A_143 = arith.constant 0 : i32
      %cond3A_144 = arith.cmpi ne, %convert_element_type3A_142, %cond3A_143 : i32
      scf.if %cond3A_144 {
        %dma_wait3A_145 = arith.constant 0 : i32
        %dma_wait3A_146 = arith.constant 0 : i32
        %dma_wait3A_147 = arith.constant 0 : i32
        %dma_wait3A_148 = tpu.memref_slice %arg3[%dma_wait3A_145, %dma_wait3A_146, %dma_wait3A_147] : memref<32x84x128xi32, #tpu.memory_space<hbm>> -> memref<1x1x128xi32, #tpu.memory_space<hbm>>
        %dma_wait3A_149 = tpu.memref_squeeze %dma_wait3A_148 : memref<1x1x128xi32, #tpu.memory_space<hbm>> -> memref<128xi32, #tpu.memory_space<hbm>>
        %dma_wait3A_150 = arith.constant 0 : i32
        %dma_wait3A_151 = tpu.memref_slice %arg3[%dma_wait3A_145, %dma_wait3A_146, %dma_wait3A_150] : memref<32x84x128xi32, #tpu.memory_space<hbm>> -> memref<1x1x128xi32, #tpu.memory_space<hbm>>
        %dma_wait3A_152 = tpu.memref_squeeze %dma_wait3A_151 : memref<1x1x128xi32, #tpu.memory_space<hbm>> -> memref<128xi32, #tpu.memory_space<hbm>>
        tpu.wait_dma2 semaphore(%arg17 : memref<!tpu.dma_semaphore, #tpu.memory_space<semaphore_mem>>) src(%dma_wait3A_152 : memref<128xi32, #tpu.memory_space<hbm>>) dst(%arg7 : memref<128xi32, #tpu.memory_space<vmem>>)
        %dma_wait3A_153 = arith.constant 0 : i32
        %dma_wait3A_154 = arith.constant 0 : i32
        %dma_wait3A_155 = arith.constant 0 : i32
        %dma_wait3A_156 = tpu.memref_slice %arg4[%dma_wait3A_153, %dma_wait3A_154, %dma_wait3A_155] : memref<32x84x128xi32, #tpu.memory_space<hbm>> -> memref<1x1x128xi32, #tpu.memory_space<hbm>>
        %dma_wait3A_157 = tpu.memref_squeeze %dma_wait3A_156 : memref<1x1x128xi32, #tpu.memory_space<hbm>> -> memref<128xi32, #tpu.memory_space<hbm>>
        %dma_wait3A_158 = arith.constant 0 : i32
        %dma_wait3A_159 = tpu.memref_slice %arg4[%dma_wait3A_153, %dma_wait3A_154, %dma_wait3A_158] : memref<32x84x128xi32, #tpu.memory_space<hbm>> -> memref<1x1x128xi32, #tpu.memory_space<hbm>>
        %dma_wait3A_160 = tpu.memref_squeeze %dma_wait3A_159 : memref<1x1x128xi32, #tpu.memory_space<hbm>> -> memref<128xi32, #tpu.memory_space<hbm>>
        tpu.wait_dma2 semaphore(%arg17 : memref<!tpu.dma_semaphore, #tpu.memory_space<semaphore_mem>>) src(%dma_wait3A_160 : memref<128xi32, #tpu.memory_space<hbm>>) dst(%arg10 : memref<128xi32, #tpu.memory_space<vmem>>)
        %dma_start3A_161 = arith.constant 0 : i32
        %dma_start3A_162 = arith.constant 0 : i32
        %dma_start3A_163 = tpu.memref_slice %arg2[%dma_start3A_161, %dma_start3A_162] : memref<10112x128xf32, #tpu.memory_space<hbm>> -> memref<10112x128xf32, #tpu.memory_space<hbm>>
        tpu.enqueue_indirect_dma source(%dma_start3A_163 : memref<10112x128xf32, #tpu.memory_space<hbm>>) target(%arg13 : memref<128x128xf32, #tpu.memory_space<vmem>>) offsets(%arg7 : memref<128xi32, #tpu.memory_space<vmem>>) semaphore(%arg20 : memref<!tpu.dma_semaphore, #tpu.memory_space<semaphore_mem>>)
      } else {
      }
    }
    %scan3A_52 = arith.constant 28 : i32
    %dma_wait3A_53 = arith.constant 0 : i32
    %dma_wait3A_54 = arith.constant 0 : i32
    %dma_wait3A_55 = tpu.memref_slice %arg16[%dma_wait3A_53, %dma_wait3A_54] : memref<10112x128xf32, #tpu.memory_space<vmem_shared>> -> memref<10112x128xf32, #tpu.memory_space<vmem_shared>>
    tpu.wait_indirect_dma semaphore(%arg25 : memref<!tpu.dma_semaphore, #tpu.memory_space<semaphore_mem>>) src(%arg15 : memref<128x128xf32, #tpu.memory_space<vmem>>) dst(%dma_wait3A_55 : memref<10112x128xf32, #tpu.memory_space<vmem_shared>>)
    %barrier3A_56 = arith.constant 0 : index
    tpu.barrier barrier_id(%barrier3A_56)
    %mul3A_57 = arith.constant 632 : i32
    %mul3A_58 = arith.muli %arg1, %mul3A_57 : i32
    %mul3A_59 = arith.constant 632 : i32
    %mul3A_60 = arith.muli %arg1, %mul3A_59 : i32
    "tpu.region"() ({
      %run_scoped3A = tpu.sem_alloc : memref<!tpu.dma_semaphore, #tpu.memory_space<semaphore_mem>>
      %dma_start3A_61 = arith.constant 0 : i32
      %dma_start3A_62 = tpu.memref_slice %arg6[%arg0, %mul3A_60, %dma_start3A_61] : memref<2x10112x128xf32, #tpu.memory_space<hbm>> -> memref<1x632x128xf32, #tpu.memory_space<hbm>>
      %dma_start3A_63 = tpu.memref_squeeze %dma_start3A_62 : memref<1x632x128xf32, #tpu.memory_space<hbm>> -> memref<632x128xf32, #tpu.memory_space<hbm>>
      %dma_start3A_64 = arith.constant 0 : i32
      %dma_start3A_65 = tpu.memref_slice %arg16[%mul3A_58, %dma_start3A_64] : memref<10112x128xf32, #tpu.memory_space<vmem_shared>> -> memref<632x128xf32, #tpu.memory_space<vmem_shared>>
      tpu.enqueue_dma source(%dma_start3A_65 : memref<632x128xf32, #tpu.memory_space<vmem_shared>>) target(%dma_start3A_63 : memref<632x128xf32, #tpu.memory_space<hbm>>) target_semaphore(%run_scoped3A : memref<!tpu.dma_semaphore, #tpu.memory_space<semaphore_mem>>)
      %dma_wait3A_66 = arith.constant 0 : i32
      %dma_wait3A_67 = tpu.memref_slice %arg6[%arg0, %mul3A_60, %dma_wait3A_66] : memref<2x10112x128xf32, #tpu.memory_space<hbm>> -> memref<1x632x128xf32, #tpu.memory_space<hbm>>
      %dma_wait3A_68 = tpu.memref_squeeze %dma_wait3A_67 : memref<1x632x128xf32, #tpu.memory_space<hbm>> -> memref<632x128xf32, #tpu.memory_space<hbm>>
      %dma_wait3A_69 = arith.constant 0 : i32
      %dma_wait3A_70 = tpu.memref_slice %arg16[%mul3A_58, %dma_wait3A_69] : memref<10112x128xf32, #tpu.memory_space<vmem_shared>> -> memref<632x128xf32, #tpu.memory_space<vmem_shared>>
      tpu.wait_dma2 semaphore(%run_scoped3A : memref<!tpu.dma_semaphore, #tpu.memory_space<semaphore_mem>>) src(%dma_wait3A_70 : memref<632x128xf32, #tpu.memory_space<vmem_shared>>) dst(%dma_wait3A_68 : memref<632x128xf32, #tpu.memory_space<hbm>>)
      tpu.yield
    }) : () -> ()
    return
  }
}

#map = affine_map<(d0, d1) -> (0, 0)>
#map1 = affine_map<(d0, d1) -> (0, 0, 0)>
module attributes {stable_mosaic.version = 14 : i64} {
  func.func @body_fn(%arg0: i32, %arg1: i32, %arg2: memref<10112x8xf32, #tpu.memory_space<hbm>>, %arg3: memref<32x84x128xi32, #tpu.memory_space<hbm>>, %arg4: memref<32x84x128xi32, #tpu.memory_space<hbm>>, %arg5: memref<632x8xf32, #tpu.memory_space<hbm>>, %arg6: memref<2x10112x8xf32, #tpu.memory_space<hbm>>, %arg7: memref<128xi32, #tpu.memory_space<vmem>>, %arg8: memref<128xi32, #tpu.memory_space<vmem>>, %arg9: memref<128xi32, #tpu.memory_space<vmem>>, %arg10: memref<128xi32, #tpu.memory_space<vmem>>, %arg11: memref<128xi32, #tpu.memory_space<vmem>>, %arg12: memref<128xi32, #tpu.memory_space<vmem>>, %arg13: memref<128xi32, #tpu.memory_space<vmem>>, %arg14: memref<128xi32, #tpu.memory_space<vmem>>, %arg15: memref<128xi32, #tpu.memory_space<vmem>>, %arg16: memref<128xi32, #tpu.memory_space<vmem>>, %arg17: memref<128xi32, #tpu.memory_space<vmem>>, %arg18: memref<128xi32, #tpu.memory_space<vmem>>, %arg19: memref<128x8xf32, #tpu.memory_space<vmem>>, %arg20: memref<128x8xf32, #tpu.memory_space<vmem>>, %arg21: memref<128x8xf32, #tpu.memory_space<vmem>>, %arg22: memref<128x8xf32, #tpu.memory_space<vmem>>, %arg23: memref<128x8xf32, #tpu.memory_space<vmem>>, %arg24: memref<128x8xf32, #tpu.memory_space<vmem>>, %arg25: memref<10112x8xf32, #tpu.memory_space<vmem_shared>>, %arg26: memref<!tpu.dma_semaphore, #tpu.memory_space<semaphore_mem>>, %arg27: memref<!tpu.dma_semaphore, #tpu.memory_space<semaphore_mem>>, %arg28: memref<!tpu.dma_semaphore, #tpu.memory_space<semaphore_mem>>, %arg29: memref<!tpu.dma_semaphore, #tpu.memory_space<semaphore_mem>>, %arg30: memref<!tpu.dma_semaphore, #tpu.memory_space<semaphore_mem>>, %arg31: memref<!tpu.dma_semaphore, #tpu.memory_space<semaphore_mem>>, %arg32: memref<!tpu.dma_semaphore, #tpu.memory_space<semaphore_mem>>, %arg33: memref<!tpu.dma_semaphore, #tpu.memory_space<semaphore_mem>>, %arg34: memref<!tpu.dma_semaphore, #tpu.memory_space<semaphore_mem>>, %arg35: memref<!tpu.dma_semaphore, #tpu.memory_space<semaphore_mem>>, %arg36: memref<!tpu.dma_semaphore, #tpu.memory_space<semaphore_mem>>, %arg37: memref<!tpu.dma_semaphore, #tpu.memory_space<semaphore_mem>>, %arg38: memref<!tpu.dma_semaphore, #tpu.memory_space<semaphore_mem>>, %arg39: memref<!tpu.dma_semaphore, #tpu.memory_space<semaphore_mem>>, %arg40: memref<!tpu.dma_semaphore, #tpu.memory_space<semaphore_mem>>, %arg41: memref<!tpu.dma_semaphore, #tpu.memory_space<semaphore_mem>>, %arg42: memref<!tpu.dma_semaphore, #tpu.memory_space<semaphore_mem>>, %arg43: memref<!tpu.dma_semaphore, #tpu.memory_space<semaphore_mem>>) attributes {dimension_semantics = [#tpu.dimension_semantics<core_parallel>, #tpu.dimension_semantics<subcore_parallel>], iteration_bounds = array<i64: 2, 16>, scalar_prefetch = 0 : i64, scratch_operands = 37 : i64, tpu.core_type = #tpu.core_type<sc_vector_subcore>, window_params = [{transform_indices = #map}, {transform_indices = #map1}, {transform_indices = #map1}, {transform_indices = #map}, {transform_indices = #map1}]} {
    %mul3A = arith.constant 2 : i32
    %mul3A_0 = arith.muli %arg1, %mul3A : i32
    %add3A = arith.addi %mul3A_0, %arg0 : i32
    %mul3A_1 = arith.constant 632 : i32
    %mul3A_2 = arith.muli %arg1, %mul3A_1 : i32
    "tpu.region"() ({
      %run_scoped3A = tpu.sem_alloc : memref<!tpu.dma_semaphore, #tpu.memory_space<semaphore_mem>>
      %dma_start3A_100 = arith.constant 0 : i32
      %dma_start3A_101 = tpu.memref_slice %arg25[%mul3A_2, %dma_start3A_100] : memref<10112x8xf32, #tpu.memory_space<vmem_shared>> -> memref<632x8xf32, #tpu.memory_space<vmem_shared>>
      tpu.enqueue_dma source(%arg5 : memref<632x8xf32, #tpu.memory_space<hbm>>) target(%dma_start3A_101 : memref<632x8xf32, #tpu.memory_space<vmem_shared>>) target_semaphore(%run_scoped3A : memref<!tpu.dma_semaphore, #tpu.memory_space<semaphore_mem>>)
      %dma_wait3A_102 = arith.constant 0 : i32
      %dma_wait3A_103 = tpu.memref_slice %arg25[%mul3A_2, %dma_wait3A_102] : memref<10112x8xf32, #tpu.memory_space<vmem_shared>> -> memref<632x8xf32, #tpu.memory_space<vmem_shared>>
      tpu.wait_dma2 semaphore(%run_scoped3A : memref<!tpu.dma_semaphore, #tpu.memory_space<semaphore_mem>>) src(%arg5 : memref<632x8xf32, #tpu.memory_space<hbm>>) dst(%dma_wait3A_103 : memref<632x8xf32, #tpu.memory_space<vmem_shared>>)
      tpu.yield
    }) : () -> ()
    %barrier3A = arith.constant 0 : index
    tpu.barrier barrier_id(%barrier3A)
    %dma_start3A = arith.constant 0 : i32
    %dma_start3A_3 = arith.constant 0 : i32
    %dma_start3A_4 = tpu.memref_slice %arg3[%add3A, %dma_start3A, %dma_start3A_3] : memref<32x84x128xi32, #tpu.memory_space<hbm>> -> memref<1x1x128xi32, #tpu.memory_space<hbm>>
    %dma_start3A_5 = tpu.memref_squeeze %dma_start3A_4 : memref<1x1x128xi32, #tpu.memory_space<hbm>> -> memref<128xi32, #tpu.memory_space<hbm>>
    %dma_start3A_6 = arith.constant 0 : i32
    %dma_start3A_7 = tpu.memref_slice %arg3[%add3A, %dma_start3A, %dma_start3A_6] : memref<32x84x128xi32, #tpu.memory_space<hbm>> -> memref<1x1x128xi32, #tpu.memory_space<hbm>>
    %dma_start3A_8 = tpu.memref_squeeze %dma_start3A_7 : memref<1x1x128xi32, #tpu.memory_space<hbm>> -> memref<128xi32, #tpu.memory_space<hbm>>
    tpu.enqueue_dma source(%dma_start3A_8 : memref<128xi32, #tpu.memory_space<hbm>>) target(%arg7 : memref<128xi32, #tpu.memory_space<vmem>>) target_semaphore(%arg26 : memref<!tpu.dma_semaphore, #tpu.memory_space<semaphore_mem>>)
    %dma_start3A_9 = arith.constant 0 : i32
    %dma_start3A_10 = arith.constant 0 : i32
    %dma_start3A_11 = tpu.memref_slice %arg4[%add3A, %dma_start3A_9, %dma_start3A_10] : memref<32x84x128xi32, #tpu.memory_space<hbm>> -> memref<1x1x128xi32, #tpu.memory_space<hbm>>
    %dma_start3A_12 = tpu.memref_squeeze %dma_start3A_11 : memref<1x1x128xi32, #tpu.memory_space<hbm>> -> memref<128xi32, #tpu.memory_space<hbm>>
    %dma_start3A_13 = arith.constant 0 : i32
    %dma_start3A_14 = tpu.memref_slice %arg4[%add3A, %dma_start3A_9, %dma_start3A_13] : memref<32x84x128xi32, #tpu.memory_space<hbm>> -> memref<1x1x128xi32, #tpu.memory_space<hbm>>
    %dma_start3A_15 = tpu.memref_squeeze %dma_start3A_14 : memref<1x1x128xi32, #tpu.memory_space<hbm>> -> memref<128xi32, #tpu.memory_space<hbm>>
    tpu.enqueue_dma source(%dma_start3A_15 : memref<128xi32, #tpu.memory_space<hbm>>) target(%arg13 : memref<128xi32, #tpu.memory_space<vmem>>) target_semaphore(%arg26 : memref<!tpu.dma_semaphore, #tpu.memory_space<semaphore_mem>>)
    %dma_start3A_16 = arith.constant 1 : i32
    %dma_start3A_17 = arith.constant 0 : i32
    %dma_start3A_18 = tpu.memref_slice %arg3[%add3A, %dma_start3A_16, %dma_start3A_17] : memref<32x84x128xi32, #tpu.memory_space<hbm>> -> memref<1x1x128xi32, #tpu.memory_space<hbm>>
    %dma_start3A_19 = tpu.memref_squeeze %dma_start3A_18 : memref<1x1x128xi32, #tpu.memory_space<hbm>> -> memref<128xi32, #tpu.memory_space<hbm>>
    %dma_start3A_20 = arith.constant 0 : i32
    %dma_start3A_21 = tpu.memref_slice %arg3[%add3A, %dma_start3A_16, %dma_start3A_20] : memref<32x84x128xi32, #tpu.memory_space<hbm>> -> memref<1x1x128xi32, #tpu.memory_space<hbm>>
    %dma_start3A_22 = tpu.memref_squeeze %dma_start3A_21 : memref<1x1x128xi32, #tpu.memory_space<hbm>> -> memref<128xi32, #tpu.memory_space<hbm>>
    tpu.enqueue_dma source(%dma_start3A_22 : memref<128xi32, #tpu.memory_space<hbm>>) target(%arg8 : memref<128xi32, #tpu.memory_space<vmem>>) target_semaphore(%arg27 : memref<!tpu.dma_semaphore, #tpu.memory_space<semaphore_mem>>)
    %dma_start3A_23 = arith.constant 1 : i32
    %dma_start3A_24 = arith.constant 0 : i32
    %dma_start3A_25 = tpu.memref_slice %arg4[%add3A, %dma_start3A_23, %dma_start3A_24] : memref<32x84x128xi32, #tpu.memory_space<hbm>> -> memref<1x1x128xi32, #tpu.memory_space<hbm>>
    %dma_start3A_26 = tpu.memref_squeeze %dma_start3A_25 : memref<1x1x128xi32, #tpu.memory_space<hbm>> -> memref<128xi32, #tpu.memory_space<hbm>>
    %dma_start3A_27 = arith.constant 0 : i32
    %dma_start3A_28 = tpu.memref_slice %arg4[%add3A, %dma_start3A_23, %dma_start3A_27] : memref<32x84x128xi32, #tpu.memory_space<hbm>> -> memref<1x1x128xi32, #tpu.memory_space<hbm>>
    %dma_start3A_29 = tpu.memref_squeeze %dma_start3A_28 : memref<1x1x128xi32, #tpu.memory_space<hbm>> -> memref<128xi32, #tpu.memory_space<hbm>>
    tpu.enqueue_dma source(%dma_start3A_29 : memref<128xi32, #tpu.memory_space<hbm>>) target(%arg14 : memref<128xi32, #tpu.memory_space<vmem>>) target_semaphore(%arg27 : memref<!tpu.dma_semaphore, #tpu.memory_space<semaphore_mem>>)
    %dma_start3A_30 = arith.constant 2 : i32
    %dma_start3A_31 = arith.constant 0 : i32
    %dma_start3A_32 = tpu.memref_slice %arg3[%add3A, %dma_start3A_30, %dma_start3A_31] : memref<32x84x128xi32, #tpu.memory_space<hbm>> -> memref<1x1x128xi32, #tpu.memory_space<hbm>>
    %dma_start3A_33 = tpu.memref_squeeze %dma_start3A_32 : memref<1x1x128xi32, #tpu.memory_space<hbm>> -> memref<128xi32, #tpu.memory_space<hbm>>
    %dma_start3A_34 = arith.constant 0 : i32
    %dma_start3A_35 = tpu.memref_slice %arg3[%add3A, %dma_start3A_30, %dma_start3A_34] : memref<32x84x128xi32, #tpu.memory_space<hbm>> -> memref<1x1x128xi32, #tpu.memory_space<hbm>>
    %dma_start3A_36 = tpu.memref_squeeze %dma_start3A_35 : memref<1x1x128xi32, #tpu.memory_space<hbm>> -> memref<128xi32, #tpu.memory_space<hbm>>
    tpu.enqueue_dma source(%dma_start3A_36 : memref<128xi32, #tpu.memory_space<hbm>>) target(%arg9 : memref<128xi32, #tpu.memory_space<vmem>>) target_semaphore(%arg28 : memref<!tpu.dma_semaphore, #tpu.memory_space<semaphore_mem>>)
    %dma_start3A_37 = arith.constant 2 : i32
    %dma_start3A_38 = arith.constant 0 : i32
    %dma_start3A_39 = tpu.memref_slice %arg4[%add3A, %dma_start3A_37, %dma_start3A_38] : memref<32x84x128xi32, #tpu.memory_space<hbm>> -> memref<1x1x128xi32, #tpu.memory_space<hbm>>
    %dma_start3A_40 = tpu.memref_squeeze %dma_start3A_39 : memref<1x1x128xi32, #tpu.memory_space<hbm>> -> memref<128xi32, #tpu.memory_space<hbm>>
    %dma_start3A_41 = arith.constant 0 : i32
    %dma_start3A_42 = tpu.memref_slice %arg4[%add3A, %dma_start3A_37, %dma_start3A_41] : memref<32x84x128xi32, #tpu.memory_space<hbm>> -> memref<1x1x128xi32, #tpu.memory_space<hbm>>
    %dma_start3A_43 = tpu.memref_squeeze %dma_start3A_42 : memref<1x1x128xi32, #tpu.memory_space<hbm>> -> memref<128xi32, #tpu.memory_space<hbm>>
    tpu.enqueue_dma source(%dma_start3A_43 : memref<128xi32, #tpu.memory_space<hbm>>) target(%arg15 : memref<128xi32, #tpu.memory_space<vmem>>) target_semaphore(%arg28 : memref<!tpu.dma_semaphore, #tpu.memory_space<semaphore_mem>>)
    %dma_wait3A = arith.constant 0 : i32
    %dma_wait3A_44 = arith.constant 0 : i32
    %dma_wait3A_45 = arith.constant 0 : i32
    %dma_wait3A_46 = tpu.memref_slice %arg3[%dma_wait3A, %dma_wait3A_44, %dma_wait3A_45] : memref<32x84x128xi32, #tpu.memory_space<hbm>> -> memref<1x1x128xi32, #tpu.memory_space<hbm>>
    %dma_wait3A_47 = tpu.memref_squeeze %dma_wait3A_46 : memref<1x1x128xi32, #tpu.memory_space<hbm>> -> memref<128xi32, #tpu.memory_space<hbm>>
    %dma_wait3A_48 = arith.constant 0 : i32
    %dma_wait3A_49 = tpu.memref_slice %arg3[%dma_wait3A, %dma_wait3A_44, %dma_wait3A_48] : memref<32x84x128xi32, #tpu.memory_space<hbm>> -> memref<1x1x128xi32, #tpu.memory_space<hbm>>
    %dma_wait3A_50 = tpu.memref_squeeze %dma_wait3A_49 : memref<1x1x128xi32, #tpu.memory_space<hbm>> -> memref<128xi32, #tpu.memory_space<hbm>>
    tpu.wait_dma2 semaphore(%arg26 : memref<!tpu.dma_semaphore, #tpu.memory_space<semaphore_mem>>) src(%dma_wait3A_50 : memref<128xi32, #tpu.memory_space<hbm>>) dst(%arg7 : memref<128xi32, #tpu.memory_space<vmem>>)
    %dma_wait3A_51 = arith.constant 0 : i32
    %dma_wait3A_52 = arith.constant 0 : i32
    %dma_wait3A_53 = arith.constant 0 : i32
    %dma_wait3A_54 = tpu.memref_slice %arg4[%dma_wait3A_51, %dma_wait3A_52, %dma_wait3A_53] : memref<32x84x128xi32, #tpu.memory_space<hbm>> -> memref<1x1x128xi32, #tpu.memory_space<hbm>>
    %dma_wait3A_55 = tpu.memref_squeeze %dma_wait3A_54 : memref<1x1x128xi32, #tpu.memory_space<hbm>> -> memref<128xi32, #tpu.memory_space<hbm>>
    %dma_wait3A_56 = arith.constant 0 : i32
    %dma_wait3A_57 = tpu.memref_slice %arg4[%dma_wait3A_51, %dma_wait3A_52, %dma_wait3A_56] : memref<32x84x128xi32, #tpu.memory_space<hbm>> -> memref<1x1x128xi32, #tpu.memory_space<hbm>>
    %dma_wait3A_58 = tpu.memref_squeeze %dma_wait3A_57 : memref<1x1x128xi32, #tpu.memory_space<hbm>> -> memref<128xi32, #tpu.memory_space<hbm>>
    tpu.wait_dma2 semaphore(%arg26 : memref<!tpu.dma_semaphore, #tpu.memory_space<semaphore_mem>>) src(%dma_wait3A_58 : memref<128xi32, #tpu.memory_space<hbm>>) dst(%arg13 : memref<128xi32, #tpu.memory_space<vmem>>)
    %dma_start3A_59 = arith.constant 0 : i32
    %dma_start3A_60 = arith.constant 0 : i32
    %dma_start3A_61 = tpu.memref_slice %arg2[%dma_start3A_59, %dma_start3A_60] : memref<10112x8xf32, #tpu.memory_space<hbm>> -> memref<10112x8xf32, #tpu.memory_space<hbm>>
    tpu.enqueue_indirect_dma source(%dma_start3A_61 : memref<10112x8xf32, #tpu.memory_space<hbm>>) target(%arg19 : memref<128x8xf32, #tpu.memory_space<vmem>>) offsets(%arg7 : memref<128xi32, #tpu.memory_space<vmem>>) semaphore(%arg32 : memref<!tpu.dma_semaphore, #tpu.memory_space<semaphore_mem>>)
    %dma_wait3A_62 = arith.constant 0 : i32
    %dma_wait3A_63 = arith.constant 0 : i32
    %dma_wait3A_64 = arith.constant 0 : i32
    %dma_wait3A_65 = tpu.memref_slice %arg3[%dma_wait3A_62, %dma_wait3A_63, %dma_wait3A_64] : memref<32x84x128xi32, #tpu.memory_space<hbm>> -> memref<1x1x128xi32, #tpu.memory_space<hbm>>
    %dma_wait3A_66 = tpu.memref_squeeze %dma_wait3A_65 : memref<1x1x128xi32, #tpu.memory_space<hbm>> -> memref<128xi32, #tpu.memory_space<hbm>>
    %dma_wait3A_67 = arith.constant 0 : i32
    %dma_wait3A_68 = tpu.memref_slice %arg3[%dma_wait3A_62, %dma_wait3A_63, %dma_wait3A_67] : memref<32x84x128xi32, #tpu.memory_space<hbm>> -> memref<1x1x128xi32, #tpu.memory_space<hbm>>
    %dma_wait3A_69 = tpu.memref_squeeze %dma_wait3A_68 : memref<1x1x128xi32, #tpu.memory_space<hbm>> -> memref<128xi32, #tpu.memory_space<hbm>>
    tpu.wait_dma2 semaphore(%arg27 : memref<!tpu.dma_semaphore, #tpu.memory_space<semaphore_mem>>) src(%dma_wait3A_69 : memref<128xi32, #tpu.memory_space<hbm>>) dst(%arg8 : memref<128xi32, #tpu.memory_space<vmem>>)
    %dma_wait3A_70 = arith.constant 0 : i32
    %dma_wait3A_71 = arith.constant 0 : i32
    %dma_wait3A_72 = arith.constant 0 : i32
    %dma_wait3A_73 = tpu.memref_slice %arg4[%dma_wait3A_70, %dma_wait3A_71, %dma_wait3A_72] : memref<32x84x128xi32, #tpu.memory_space<hbm>> -> memref<1x1x128xi32, #tpu.memory_space<hbm>>
    %dma_wait3A_74 = tpu.memref_squeeze %dma_wait3A_73 : memref<1x1x128xi32, #tpu.memory_space<hbm>> -> memref<128xi32, #tpu.memory_space<hbm>>
    %dma_wait3A_75 = arith.constant 0 : i32
    %dma_wait3A_76 = tpu.memref_slice %arg4[%dma_wait3A_70, %dma_wait3A_71, %dma_wait3A_75] : memref<32x84x128xi32, #tpu.memory_space<hbm>> -> memref<1x1x128xi32, #tpu.memory_space<hbm>>
    %dma_wait3A_77 = tpu.memref_squeeze %dma_wait3A_76 : memref<1x1x128xi32, #tpu.memory_space<hbm>> -> memref<128xi32, #tpu.memory_space<hbm>>
    tpu.wait_dma2 semaphore(%arg27 : memref<!tpu.dma_semaphore, #tpu.memory_space<semaphore_mem>>) src(%dma_wait3A_77 : memref<128xi32, #tpu.memory_space<hbm>>) dst(%arg14 : memref<128xi32, #tpu.memory_space<vmem>>)
    %dma_start3A_78 = arith.constant 0 : i32
    %dma_start3A_79 = arith.constant 0 : i32
    %dma_start3A_80 = tpu.memref_slice %arg2[%dma_start3A_78, %dma_start3A_79] : memref<10112x8xf32, #tpu.memory_space<hbm>> -> memref<10112x8xf32, #tpu.memory_space<hbm>>
    tpu.enqueue_indirect_dma source(%dma_start3A_80 : memref<10112x8xf32, #tpu.memory_space<hbm>>) target(%arg20 : memref<128x8xf32, #tpu.memory_space<vmem>>) offsets(%arg8 : memref<128xi32, #tpu.memory_space<vmem>>) semaphore(%arg33 : memref<!tpu.dma_semaphore, #tpu.memory_space<semaphore_mem>>)
    %scan3A = arith.constant 0 : i32
    %scan3A_81 = arith.constant 0 : i32
    %scan3A_82 = arith.constant 14 : i32
    %scan3A_83 = arith.addi %scan3A_81, %scan3A_82 : i32
    %scan3A_84 = arith.constant 1 : i32
    scf.for %scan3A_100 = %scan3A_81 to %scan3A_83 step %scan3A_84  : i32 {
      %mul3A_101 = arith.constant 6 : i32
      %mul3A_102 = arith.muli %mul3A_101, %scan3A_100 : i32
      %add3A_103 = arith.constant 0 : i32
      %add3A_104 = arith.addi %mul3A_102, %add3A_103 : i32
      %dma_wait3A_105 = arith.constant 0 : i32
      %dma_wait3A_106 = arith.constant 0 : i32
      %dma_wait3A_107 = tpu.memref_slice %arg2[%dma_wait3A_105, %dma_wait3A_106] : memref<10112x8xf32, #tpu.memory_space<hbm>> -> memref<10112x8xf32, #tpu.memory_space<hbm>>
      tpu.wait_indirect_dma semaphore(%arg32 : memref<!tpu.dma_semaphore, #tpu.memory_space<semaphore_mem>>) src(%dma_wait3A_107 : memref<10112x8xf32, #tpu.memory_space<hbm>>) dst(%arg19 : memref<128x8xf32, #tpu.memory_space<vmem>>)
      %dma_start3A_108 = arith.constant 0 : i32
      %dma_start3A_109 = arith.constant 0 : i32
      %dma_start3A_110 = tpu.memref_slice %arg25[%dma_start3A_108, %dma_start3A_109] : memref<10112x8xf32, #tpu.memory_space<vmem_shared>> -> memref<10112x8xf32, #tpu.memory_space<vmem_shared>>
      tpu.enqueue_indirect_dma source(%arg19 : memref<128x8xf32, #tpu.memory_space<vmem>>) target(%dma_start3A_110 : memref<10112x8xf32, #tpu.memory_space<vmem_shared>>) offsets(%arg13 : memref<128xi32, #tpu.memory_space<vmem>>) semaphore(%arg38 : memref<!tpu.dma_semaphore, #tpu.memory_space<semaphore_mem>>) {add = true}
      %ge3A = arith.constant 3 : i32
      %ge3A_111 = arith.cmpi sge, %add3A_104, %ge3A : i32
      %convert_element_type3A = arith.extui %ge3A_111 : i1 to i32
      %cond3A = arith.constant 0 : i32
      %cond3A_112 = arith.cmpi ne, %convert_element_type3A, %cond3A : i32
      scf.if %cond3A_112 {
        %dma_wait3A_271 = arith.constant 0 : i32
        %dma_wait3A_272 = arith.constant 0 : i32
        %dma_wait3A_273 = tpu.memref_slice %arg25[%dma_wait3A_271, %dma_wait3A_272] : memref<10112x8xf32, #tpu.memory_space<vmem_shared>> -> memref<10112x8xf32, #tpu.memory_space<vmem_shared>>
        tpu.wait_indirect_dma semaphore(%arg41 : memref<!tpu.dma_semaphore, #tpu.memory_space<semaphore_mem>>) src(%arg22 : memref<128x8xf32, #tpu.memory_space<vmem>>) dst(%dma_wait3A_273 : memref<10112x8xf32, #tpu.memory_space<vmem_shared>>)
      } else {
      }
      %add3A_113 = arith.constant 3 : i32
      %add3A_114 = arith.addi %add3A_104, %add3A_113 : i32
      %lt3A = arith.constant 84 : i32
      %lt3A_115 = arith.cmpi slt, %add3A_114, %lt3A : i32
      %convert_element_type3A_116 = arith.extui %lt3A_115 : i1 to i32
      %cond3A_117 = arith.constant 0 : i32
      %cond3A_118 = arith.cmpi ne, %convert_element_type3A_116, %cond3A_117 : i32
      scf.if %cond3A_118 {
        %add3A_271 = arith.constant 3 : i32
        %add3A_272 = arith.addi %add3A_104, %add3A_271 : i32
        %dma_start3A_273 = arith.constant 0 : i32
        %dma_start3A_274 = tpu.memref_slice %arg3[%add3A, %add3A_272, %dma_start3A_273] : memref<32x84x128xi32, #tpu.memory_space<hbm>> -> memref<1x1x128xi32, #tpu.memory_space<hbm>>
        %dma_start3A_275 = tpu.memref_squeeze %dma_start3A_274 : memref<1x1x128xi32, #tpu.memory_space<hbm>> -> memref<128xi32, #tpu.memory_space<hbm>>
        %dma_start3A_276 = arith.constant 0 : i32
        %dma_start3A_277 = tpu.memref_slice %arg3[%add3A, %add3A_272, %dma_start3A_276] : memref<32x84x128xi32, #tpu.memory_space<hbm>> -> memref<1x1x128xi32, #tpu.memory_space<hbm>>
        %dma_start3A_278 = tpu.memref_squeeze %dma_start3A_277 : memref<1x1x128xi32, #tpu.memory_space<hbm>> -> memref<128xi32, #tpu.memory_space<hbm>>
        tpu.enqueue_dma source(%dma_start3A_278 : memref<128xi32, #tpu.memory_space<hbm>>) target(%arg10 : memref<128xi32, #tpu.memory_space<vmem>>) target_semaphore(%arg29 : memref<!tpu.dma_semaphore, #tpu.memory_space<semaphore_mem>>)
        %dma_start3A_279 = arith.constant 0 : i32
        %dma_start3A_280 = tpu.memref_slice %arg4[%add3A, %add3A_272, %dma_start3A_279] : memref<32x84x128xi32, #tpu.memory_space<hbm>> -> memref<1x1x128xi32, #tpu.memory_space<hbm>>
        %dma_start3A_281 = tpu.memref_squeeze %dma_start3A_280 : memref<1x1x128xi32, #tpu.memory_space<hbm>> -> memref<128xi32, #tpu.memory_space<hbm>>
        %dma_start3A_282 = arith.constant 0 : i32
        %dma_start3A_283 = tpu.memref_slice %arg4[%add3A, %add3A_272, %dma_start3A_282] : memref<32x84x128xi32, #tpu.memory_space<hbm>> -> memref<1x1x128xi32, #tpu.memory_space<hbm>>
        %dma_start3A_284 = tpu.memref_squeeze %dma_start3A_283 : memref<1x1x128xi32, #tpu.memory_space<hbm>> -> memref<128xi32, #tpu.memory_space<hbm>>
        tpu.enqueue_dma source(%dma_start3A_284 : memref<128xi32, #tpu.memory_space<hbm>>) target(%arg16 : memref<128xi32, #tpu.memory_space<vmem>>) target_semaphore(%arg29 : memref<!tpu.dma_semaphore, #tpu.memory_space<semaphore_mem>>)
      } else {
      }
      %add3A_119 = arith.constant 2 : i32
      %add3A_120 = arith.addi %add3A_104, %add3A_119 : i32
      %lt3A_121 = arith.constant 84 : i32
      %lt3A_122 = arith.cmpi slt, %add3A_120, %lt3A_121 : i32
      %convert_element_type3A_123 = arith.extui %lt3A_122 : i1 to i32
      %cond3A_124 = arith.constant 0 : i32
      %cond3A_125 = arith.cmpi ne, %convert_element_type3A_123, %cond3A_124 : i32
      scf.if %cond3A_125 {
        %dma_wait3A_271 = arith.constant 0 : i32
        %dma_wait3A_272 = arith.constant 0 : i32
        %dma_wait3A_273 = arith.constant 0 : i32
        %dma_wait3A_274 = tpu.memref_slice %arg3[%dma_wait3A_271, %dma_wait3A_272, %dma_wait3A_273] : memref<32x84x128xi32, #tpu.memory_space<hbm>> -> memref<1x1x128xi32, #tpu.memory_space<hbm>>
        %dma_wait3A_275 = tpu.memref_squeeze %dma_wait3A_274 : memref<1x1x128xi32, #tpu.memory_space<hbm>> -> memref<128xi32, #tpu.memory_space<hbm>>
        %dma_wait3A_276 = arith.constant 0 : i32
        %dma_wait3A_277 = tpu.memref_slice %arg3[%dma_wait3A_271, %dma_wait3A_272, %dma_wait3A_276] : memref<32x84x128xi32, #tpu.memory_space<hbm>> -> memref<1x1x128xi32, #tpu.memory_space<hbm>>
        %dma_wait3A_278 = tpu.memref_squeeze %dma_wait3A_277 : memref<1x1x128xi32, #tpu.memory_space<hbm>> -> memref<128xi32, #tpu.memory_space<hbm>>
        tpu.wait_dma2 semaphore(%arg28 : memref<!tpu.dma_semaphore, #tpu.memory_space<semaphore_mem>>) src(%dma_wait3A_278 : memref<128xi32, #tpu.memory_space<hbm>>) dst(%arg9 : memref<128xi32, #tpu.memory_space<vmem>>)
        %dma_wait3A_279 = arith.constant 0 : i32
        %dma_wait3A_280 = arith.constant 0 : i32
        %dma_wait3A_281 = arith.constant 0 : i32
        %dma_wait3A_282 = tpu.memref_slice %arg4[%dma_wait3A_279, %dma_wait3A_280, %dma_wait3A_281] : memref<32x84x128xi32, #tpu.memory_space<hbm>> -> memref<1x1x128xi32, #tpu.memory_space<hbm>>
        %dma_wait3A_283 = tpu.memref_squeeze %dma_wait3A_282 : memref<1x1x128xi32, #tpu.memory_space<hbm>> -> memref<128xi32, #tpu.memory_space<hbm>>
        %dma_wait3A_284 = arith.constant 0 : i32
        %dma_wait3A_285 = tpu.memref_slice %arg4[%dma_wait3A_279, %dma_wait3A_280, %dma_wait3A_284] : memref<32x84x128xi32, #tpu.memory_space<hbm>> -> memref<1x1x128xi32, #tpu.memory_space<hbm>>
        %dma_wait3A_286 = tpu.memref_squeeze %dma_wait3A_285 : memref<1x1x128xi32, #tpu.memory_space<hbm>> -> memref<128xi32, #tpu.memory_space<hbm>>
        tpu.wait_dma2 semaphore(%arg28 : memref<!tpu.dma_semaphore, #tpu.memory_space<semaphore_mem>>) src(%dma_wait3A_286 : memref<128xi32, #tpu.memory_space<hbm>>) dst(%arg15 : memref<128xi32, #tpu.memory_space<vmem>>)
        %dma_start3A_287 = arith.constant 0 : i32
        %dma_start3A_288 = arith.constant 0 : i32
        %dma_start3A_289 = tpu.memref_slice %arg2[%dma_start3A_287, %dma_start3A_288] : memref<10112x8xf32, #tpu.memory_space<hbm>> -> memref<10112x8xf32, #tpu.memory_space<hbm>>
        tpu.enqueue_indirect_dma source(%dma_start3A_289 : memref<10112x8xf32, #tpu.memory_space<hbm>>) target(%arg21 : memref<128x8xf32, #tpu.memory_space<vmem>>) offsets(%arg9 : memref<128xi32, #tpu.memory_space<vmem>>) semaphore(%arg34 : memref<!tpu.dma_semaphore, #tpu.memory_space<semaphore_mem>>)
      } else {
      }
      %mul3A_126 = arith.constant 6 : i32
      %mul3A_127 = arith.muli %mul3A_126, %scan3A_100 : i32
      %add3A_128 = arith.constant 1 : i32
      %add3A_129 = arith.addi %mul3A_127, %add3A_128 : i32
      %dma_wait3A_130 = arith.constant 0 : i32
      %dma_wait3A_131 = arith.constant 0 : i32
      %dma_wait3A_132 = tpu.memref_slice %arg2[%dma_wait3A_130, %dma_wait3A_131] : memref<10112x8xf32, #tpu.memory_space<hbm>> -> memref<10112x8xf32, #tpu.memory_space<hbm>>
      tpu.wait_indirect_dma semaphore(%arg33 : memref<!tpu.dma_semaphore, #tpu.memory_space<semaphore_mem>>) src(%dma_wait3A_132 : memref<10112x8xf32, #tpu.memory_space<hbm>>) dst(%arg20 : memref<128x8xf32, #tpu.memory_space<vmem>>)
      %dma_start3A_133 = arith.constant 0 : i32
      %dma_start3A_134 = arith.constant 0 : i32
      %dma_start3A_135 = tpu.memref_slice %arg25[%dma_start3A_133, %dma_start3A_134] : memref<10112x8xf32, #tpu.memory_space<vmem_shared>> -> memref<10112x8xf32, #tpu.memory_space<vmem_shared>>
      tpu.enqueue_indirect_dma source(%arg20 : memref<128x8xf32, #tpu.memory_space<vmem>>) target(%dma_start3A_135 : memref<10112x8xf32, #tpu.memory_space<vmem_shared>>) offsets(%arg14 : memref<128xi32, #tpu.memory_space<vmem>>) semaphore(%arg39 : memref<!tpu.dma_semaphore, #tpu.memory_space<semaphore_mem>>) {add = true}
      %ge3A_136 = arith.constant 3 : i32
      %ge3A_137 = arith.cmpi sge, %add3A_129, %ge3A_136 : i32
      %convert_element_type3A_138 = arith.extui %ge3A_137 : i1 to i32
      %cond3A_139 = arith.constant 0 : i32
      %cond3A_140 = arith.cmpi ne, %convert_element_type3A_138, %cond3A_139 : i32
      scf.if %cond3A_140 {
        %dma_wait3A_271 = arith.constant 0 : i32
        %dma_wait3A_272 = arith.constant 0 : i32
        %dma_wait3A_273 = tpu.memref_slice %arg25[%dma_wait3A_271, %dma_wait3A_272] : memref<10112x8xf32, #tpu.memory_space<vmem_shared>> -> memref<10112x8xf32, #tpu.memory_space<vmem_shared>>
        tpu.wait_indirect_dma semaphore(%arg42 : memref<!tpu.dma_semaphore, #tpu.memory_space<semaphore_mem>>) src(%arg23 : memref<128x8xf32, #tpu.memory_space<vmem>>) dst(%dma_wait3A_273 : memref<10112x8xf32, #tpu.memory_space<vmem_shared>>)
      } else {
      }
      %add3A_141 = arith.constant 3 : i32
      %add3A_142 = arith.addi %add3A_129, %add3A_141 : i32
      %lt3A_143 = arith.constant 84 : i32
      %lt3A_144 = arith.cmpi slt, %add3A_142, %lt3A_143 : i32
      %convert_element_type3A_145 = arith.extui %lt3A_144 : i1 to i32
      %cond3A_146 = arith.constant 0 : i32
      %cond3A_147 = arith.cmpi ne, %convert_element_type3A_145, %cond3A_146 : i32
      scf.if %cond3A_147 {
        %add3A_271 = arith.constant 3 : i32
        %add3A_272 = arith.addi %add3A_129, %add3A_271 : i32
        %dma_start3A_273 = arith.constant 0 : i32
        %dma_start3A_274 = tpu.memref_slice %arg3[%add3A, %add3A_272, %dma_start3A_273] : memref<32x84x128xi32, #tpu.memory_space<hbm>> -> memref<1x1x128xi32, #tpu.memory_space<hbm>>
        %dma_start3A_275 = tpu.memref_squeeze %dma_start3A_274 : memref<1x1x128xi32, #tpu.memory_space<hbm>> -> memref<128xi32, #tpu.memory_space<hbm>>
        %dma_start3A_276 = arith.constant 0 : i32
        %dma_start3A_277 = tpu.memref_slice %arg3[%add3A, %add3A_272, %dma_start3A_276] : memref<32x84x128xi32, #tpu.memory_space<hbm>> -> memref<1x1x128xi32, #tpu.memory_space<hbm>>
        %dma_start3A_278 = tpu.memref_squeeze %dma_start3A_277 : memref<1x1x128xi32, #tpu.memory_space<hbm>> -> memref<128xi32, #tpu.memory_space<hbm>>
        tpu.enqueue_dma source(%dma_start3A_278 : memref<128xi32, #tpu.memory_space<hbm>>) target(%arg11 : memref<128xi32, #tpu.memory_space<vmem>>) target_semaphore(%arg30 : memref<!tpu.dma_semaphore, #tpu.memory_space<semaphore_mem>>)
        %dma_start3A_279 = arith.constant 0 : i32
        %dma_start3A_280 = tpu.memref_slice %arg4[%add3A, %add3A_272, %dma_start3A_279] : memref<32x84x128xi32, #tpu.memory_space<hbm>> -> memref<1x1x128xi32, #tpu.memory_space<hbm>>
        %dma_start3A_281 = tpu.memref_squeeze %dma_start3A_280 : memref<1x1x128xi32, #tpu.memory_space<hbm>> -> memref<128xi32, #tpu.memory_space<hbm>>
        %dma_start3A_282 = arith.constant 0 : i32
        %dma_start3A_283 = tpu.memref_slice %arg4[%add3A, %add3A_272, %dma_start3A_282] : memref<32x84x128xi32, #tpu.memory_space<hbm>> -> memref<1x1x128xi32, #tpu.memory_space<hbm>>
        %dma_start3A_284 = tpu.memref_squeeze %dma_start3A_283 : memref<1x1x128xi32, #tpu.memory_space<hbm>> -> memref<128xi32, #tpu.memory_space<hbm>>
        tpu.enqueue_dma source(%dma_start3A_284 : memref<128xi32, #tpu.memory_space<hbm>>) target(%arg17 : memref<128xi32, #tpu.memory_space<vmem>>) target_semaphore(%arg30 : memref<!tpu.dma_semaphore, #tpu.memory_space<semaphore_mem>>)
      } else {
      }
      %add3A_148 = arith.constant 2 : i32
      %add3A_149 = arith.addi %add3A_129, %add3A_148 : i32
      %lt3A_150 = arith.constant 84 : i32
      %lt3A_151 = arith.cmpi slt, %add3A_149, %lt3A_150 : i32
      %convert_element_type3A_152 = arith.extui %lt3A_151 : i1 to i32
      %cond3A_153 = arith.constant 0 : i32
      %cond3A_154 = arith.cmpi ne, %convert_element_type3A_152, %cond3A_153 : i32
      scf.if %cond3A_154 {
        %dma_wait3A_271 = arith.constant 0 : i32
        %dma_wait3A_272 = arith.constant 0 : i32
        %dma_wait3A_273 = arith.constant 0 : i32
        %dma_wait3A_274 = tpu.memref_slice %arg3[%dma_wait3A_271, %dma_wait3A_272, %dma_wait3A_273] : memref<32x84x128xi32, #tpu.memory_space<hbm>> -> memref<1x1x128xi32, #tpu.memory_space<hbm>>
        %dma_wait3A_275 = tpu.memref_squeeze %dma_wait3A_274 : memref<1x1x128xi32, #tpu.memory_space<hbm>> -> memref<128xi32, #tpu.memory_space<hbm>>
        %dma_wait3A_276 = arith.constant 0 : i32
        %dma_wait3A_277 = tpu.memref_slice %arg3[%dma_wait3A_271, %dma_wait3A_272, %dma_wait3A_276] : memref<32x84x128xi32, #tpu.memory_space<hbm>> -> memref<1x1x128xi32, #tpu.memory_space<hbm>>
        %dma_wait3A_278 = tpu.memref_squeeze %dma_wait3A_277 : memref<1x1x128xi32, #tpu.memory_space<hbm>> -> memref<128xi32, #tpu.memory_space<hbm>>
        tpu.wait_dma2 semaphore(%arg29 : memref<!tpu.dma_semaphore, #tpu.memory_space<semaphore_mem>>) src(%dma_wait3A_278 : memref<128xi32, #tpu.memory_space<hbm>>) dst(%arg10 : memref<128xi32, #tpu.memory_space<vmem>>)
        %dma_wait3A_279 = arith.constant 0 : i32
        %dma_wait3A_280 = arith.constant 0 : i32
        %dma_wait3A_281 = arith.constant 0 : i32
        %dma_wait3A_282 = tpu.memref_slice %arg4[%dma_wait3A_279, %dma_wait3A_280, %dma_wait3A_281] : memref<32x84x128xi32, #tpu.memory_space<hbm>> -> memref<1x1x128xi32, #tpu.memory_space<hbm>>
        %dma_wait3A_283 = tpu.memref_squeeze %dma_wait3A_282 : memref<1x1x128xi32, #tpu.memory_space<hbm>> -> memref<128xi32, #tpu.memory_space<hbm>>
        %dma_wait3A_284 = arith.constant 0 : i32
        %dma_wait3A_285 = tpu.memref_slice %arg4[%dma_wait3A_279, %dma_wait3A_280, %dma_wait3A_284] : memref<32x84x128xi32, #tpu.memory_space<hbm>> -> memref<1x1x128xi32, #tpu.memory_space<hbm>>
        %dma_wait3A_286 = tpu.memref_squeeze %dma_wait3A_285 : memref<1x1x128xi32, #tpu.memory_space<hbm>> -> memref<128xi32, #tpu.memory_space<hbm>>
        tpu.wait_dma2 semaphore(%arg29 : memref<!tpu.dma_semaphore, #tpu.memory_space<semaphore_mem>>) src(%dma_wait3A_286 : memref<128xi32, #tpu.memory_space<hbm>>) dst(%arg16 : memref<128xi32, #tpu.memory_space<vmem>>)
        %dma_start3A_287 = arith.constant 0 : i32
        %dma_start3A_288 = arith.constant 0 : i32
        %dma_start3A_289 = tpu.memref_slice %arg2[%dma_start3A_287, %dma_start3A_288] : memref<10112x8xf32, #tpu.memory_space<hbm>> -> memref<10112x8xf32, #tpu.memory_space<hbm>>
        tpu.enqueue_indirect_dma source(%dma_start3A_289 : memref<10112x8xf32, #tpu.memory_space<hbm>>) target(%arg22 : memref<128x8xf32, #tpu.memory_space<vmem>>) offsets(%arg10 : memref<128xi32, #tpu.memory_space<vmem>>) semaphore(%arg35 : memref<!tpu.dma_semaphore, #tpu.memory_space<semaphore_mem>>)
      } else {
      }
      %mul3A_155 = arith.constant 6 : i32
      %mul3A_156 = arith.muli %mul3A_155, %scan3A_100 : i32
      %add3A_157 = arith.constant 2 : i32
      %add3A_158 = arith.addi %mul3A_156, %add3A_157 : i32
      %dma_wait3A_159 = arith.constant 0 : i32
      %dma_wait3A_160 = arith.constant 0 : i32
      %dma_wait3A_161 = tpu.memref_slice %arg2[%dma_wait3A_159, %dma_wait3A_160] : memref<10112x8xf32, #tpu.memory_space<hbm>> -> memref<10112x8xf32, #tpu.memory_space<hbm>>
      tpu.wait_indirect_dma semaphore(%arg34 : memref<!tpu.dma_semaphore, #tpu.memory_space<semaphore_mem>>) src(%dma_wait3A_161 : memref<10112x8xf32, #tpu.memory_space<hbm>>) dst(%arg21 : memref<128x8xf32, #tpu.memory_space<vmem>>)
      %dma_start3A_162 = arith.constant 0 : i32
      %dma_start3A_163 = arith.constant 0 : i32
      %dma_start3A_164 = tpu.memref_slice %arg25[%dma_start3A_162, %dma_start3A_163] : memref<10112x8xf32, #tpu.memory_space<vmem_shared>> -> memref<10112x8xf32, #tpu.memory_space<vmem_shared>>
      tpu.enqueue_indirect_dma source(%arg21 : memref<128x8xf32, #tpu.memory_space<vmem>>) target(%dma_start3A_164 : memref<10112x8xf32, #tpu.memory_space<vmem_shared>>) offsets(%arg15 : memref<128xi32, #tpu.memory_space<vmem>>) semaphore(%arg40 : memref<!tpu.dma_semaphore, #tpu.memory_space<semaphore_mem>>) {add = true}
      %ge3A_165 = arith.constant 3 : i32
      %ge3A_166 = arith.cmpi sge, %add3A_158, %ge3A_165 : i32
      %convert_element_type3A_167 = arith.extui %ge3A_166 : i1 to i32
      %cond3A_168 = arith.constant 0 : i32
      %cond3A_169 = arith.cmpi ne, %convert_element_type3A_167, %cond3A_168 : i32
      scf.if %cond3A_169 {
        %dma_wait3A_271 = arith.constant 0 : i32
        %dma_wait3A_272 = arith.constant 0 : i32
        %dma_wait3A_273 = tpu.memref_slice %arg25[%dma_wait3A_271, %dma_wait3A_272] : memref<10112x8xf32, #tpu.memory_space<vmem_shared>> -> memref<10112x8xf32, #tpu.memory_space<vmem_shared>>
        tpu.wait_indirect_dma semaphore(%arg43 : memref<!tpu.dma_semaphore, #tpu.memory_space<semaphore_mem>>) src(%arg24 : memref<128x8xf32, #tpu.memory_space<vmem>>) dst(%dma_wait3A_273 : memref<10112x8xf32, #tpu.memory_space<vmem_shared>>)
      } else {
      }
      %add3A_170 = arith.constant 3 : i32
      %add3A_171 = arith.addi %add3A_158, %add3A_170 : i32
      %lt3A_172 = arith.constant 84 : i32
      %lt3A_173 = arith.cmpi slt, %add3A_171, %lt3A_172 : i32
      %convert_element_type3A_174 = arith.extui %lt3A_173 : i1 to i32
      %cond3A_175 = arith.constant 0 : i32
      %cond3A_176 = arith.cmpi ne, %convert_element_type3A_174, %cond3A_175 : i32
      scf.if %cond3A_176 {
        %add3A_271 = arith.constant 3 : i32
        %add3A_272 = arith.addi %add3A_158, %add3A_271 : i32
        %dma_start3A_273 = arith.constant 0 : i32
        %dma_start3A_274 = tpu.memref_slice %arg3[%add3A, %add3A_272, %dma_start3A_273] : memref<32x84x128xi32, #tpu.memory_space<hbm>> -> memref<1x1x128xi32, #tpu.memory_space<hbm>>
        %dma_start3A_275 = tpu.memref_squeeze %dma_start3A_274 : memref<1x1x128xi32, #tpu.memory_space<hbm>> -> memref<128xi32, #tpu.memory_space<hbm>>
        %dma_start3A_276 = arith.constant 0 : i32
        %dma_start3A_277 = tpu.memref_slice %arg3[%add3A, %add3A_272, %dma_start3A_276] : memref<32x84x128xi32, #tpu.memory_space<hbm>> -> memref<1x1x128xi32, #tpu.memory_space<hbm>>
        %dma_start3A_278 = tpu.memref_squeeze %dma_start3A_277 : memref<1x1x128xi32, #tpu.memory_space<hbm>> -> memref<128xi32, #tpu.memory_space<hbm>>
        tpu.enqueue_dma source(%dma_start3A_278 : memref<128xi32, #tpu.memory_space<hbm>>) target(%arg12 : memref<128xi32, #tpu.memory_space<vmem>>) target_semaphore(%arg31 : memref<!tpu.dma_semaphore, #tpu.memory_space<semaphore_mem>>)
        %dma_start3A_279 = arith.constant 0 : i32
        %dma_start3A_280 = tpu.memref_slice %arg4[%add3A, %add3A_272, %dma_start3A_279] : memref<32x84x128xi32, #tpu.memory_space<hbm>> -> memref<1x1x128xi32, #tpu.memory_space<hbm>>
        %dma_start3A_281 = tpu.memref_squeeze %dma_start3A_280 : memref<1x1x128xi32, #tpu.memory_space<hbm>> -> memref<128xi32, #tpu.memory_space<hbm>>
        %dma_start3A_282 = arith.constant 0 : i32
        %dma_start3A_283 = tpu.memref_slice %arg4[%add3A, %add3A_272, %dma_start3A_282] : memref<32x84x128xi32, #tpu.memory_space<hbm>> -> memref<1x1x128xi32, #tpu.memory_space<hbm>>
        %dma_start3A_284 = tpu.memref_squeeze %dma_start3A_283 : memref<1x1x128xi32, #tpu.memory_space<hbm>> -> memref<128xi32, #tpu.memory_space<hbm>>
        tpu.enqueue_dma source(%dma_start3A_284 : memref<128xi32, #tpu.memory_space<hbm>>) target(%arg18 : memref<128xi32, #tpu.memory_space<vmem>>) target_semaphore(%arg31 : memref<!tpu.dma_semaphore, #tpu.memory_space<semaphore_mem>>)
      } else {
      }
      %add3A_177 = arith.constant 2 : i32
      %add3A_178 = arith.addi %add3A_158, %add3A_177 : i32
      %lt3A_179 = arith.constant 84 : i32
      %lt3A_180 = arith.cmpi slt, %add3A_178, %lt3A_179 : i32
      %convert_element_type3A_181 = arith.extui %lt3A_180 : i1 to i32
      %cond3A_182 = arith.constant 0 : i32
      %cond3A_183 = arith.cmpi ne, %convert_element_type3A_181, %cond3A_182 : i32
      scf.if %cond3A_183 {
        %dma_wait3A_271 = arith.constant 0 : i32
        %dma_wait3A_272 = arith.constant 0 : i32
        %dma_wait3A_273 = arith.constant 0 : i32
        %dma_wait3A_274 = tpu.memref_slice %arg3[%dma_wait3A_271, %dma_wait3A_272, %dma_wait3A_273] : memref<32x84x128xi32, #tpu.memory_space<hbm>> -> memref<1x1x128xi32, #tpu.memory_space<hbm>>
        %dma_wait3A_275 = tpu.memref_squeeze %dma_wait3A_274 : memref<1x1x128xi32, #tpu.memory_space<hbm>> -> memref<128xi32, #tpu.memory_space<hbm>>
        %dma_wait3A_276 = arith.constant 0 : i32
        %dma_wait3A_277 = tpu.memref_slice %arg3[%dma_wait3A_271, %dma_wait3A_272, %dma_wait3A_276] : memref<32x84x128xi32, #tpu.memory_space<hbm>> -> memref<1x1x128xi32, #tpu.memory_space<hbm>>
        %dma_wait3A_278 = tpu.memref_squeeze %dma_wait3A_277 : memref<1x1x128xi32, #tpu.memory_space<hbm>> -> memref<128xi32, #tpu.memory_space<hbm>>
        tpu.wait_dma2 semaphore(%arg30 : memref<!tpu.dma_semaphore, #tpu.memory_space<semaphore_mem>>) src(%dma_wait3A_278 : memref<128xi32, #tpu.memory_space<hbm>>) dst(%arg11 : memref<128xi32, #tpu.memory_space<vmem>>)
        %dma_wait3A_279 = arith.constant 0 : i32
        %dma_wait3A_280 = arith.constant 0 : i32
        %dma_wait3A_281 = arith.constant 0 : i32
        %dma_wait3A_282 = tpu.memref_slice %arg4[%dma_wait3A_279, %dma_wait3A_280, %dma_wait3A_281] : memref<32x84x128xi32, #tpu.memory_space<hbm>> -> memref<1x1x128xi32, #tpu.memory_space<hbm>>
        %dma_wait3A_283 = tpu.memref_squeeze %dma_wait3A_282 : memref<1x1x128xi32, #tpu.memory_space<hbm>> -> memref<128xi32, #tpu.memory_space<hbm>>
        %dma_wait3A_284 = arith.constant 0 : i32
        %dma_wait3A_285 = tpu.memref_slice %arg4[%dma_wait3A_279, %dma_wait3A_280, %dma_wait3A_284] : memref<32x84x128xi32, #tpu.memory_space<hbm>> -> memref<1x1x128xi32, #tpu.memory_space<hbm>>
        %dma_wait3A_286 = tpu.memref_squeeze %dma_wait3A_285 : memref<1x1x128xi32, #tpu.memory_space<hbm>> -> memref<128xi32, #tpu.memory_space<hbm>>
        tpu.wait_dma2 semaphore(%arg30 : memref<!tpu.dma_semaphore, #tpu.memory_space<semaphore_mem>>) src(%dma_wait3A_286 : memref<128xi32, #tpu.memory_space<hbm>>) dst(%arg17 : memref<128xi32, #tpu.memory_space<vmem>>)
        %dma_start3A_287 = arith.constant 0 : i32
        %dma_start3A_288 = arith.constant 0 : i32
        %dma_start3A_289 = tpu.memref_slice %arg2[%dma_start3A_287, %dma_start3A_288] : memref<10112x8xf32, #tpu.memory_space<hbm>> -> memref<10112x8xf32, #tpu.memory_space<hbm>>
        tpu.enqueue_indirect_dma source(%dma_start3A_289 : memref<10112x8xf32, #tpu.memory_space<hbm>>) target(%arg23 : memref<128x8xf32, #tpu.memory_space<vmem>>) offsets(%arg11 : memref<128xi32, #tpu.memory_space<vmem>>) semaphore(%arg36 : memref<!tpu.dma_semaphore, #tpu.memory_space<semaphore_mem>>)
      } else {
      }
      %mul3A_184 = arith.constant 6 : i32
      %mul3A_185 = arith.muli %mul3A_184, %scan3A_100 : i32
      %add3A_186 = arith.constant 3 : i32
      %add3A_187 = arith.addi %mul3A_185, %add3A_186 : i32
      %dma_wait3A_188 = arith.constant 0 : i32
      %dma_wait3A_189 = arith.constant 0 : i32
      %dma_wait3A_190 = tpu.memref_slice %arg2[%dma_wait3A_188, %dma_wait3A_189] : memref<10112x8xf32, #tpu.memory_space<hbm>> -> memref<10112x8xf32, #tpu.memory_space<hbm>>
      tpu.wait_indirect_dma semaphore(%arg35 : memref<!tpu.dma_semaphore, #tpu.memory_space<semaphore_mem>>) src(%dma_wait3A_190 : memref<10112x8xf32, #tpu.memory_space<hbm>>) dst(%arg22 : memref<128x8xf32, #tpu.memory_space<vmem>>)
      %dma_start3A_191 = arith.constant 0 : i32
      %dma_start3A_192 = arith.constant 0 : i32
      %dma_start3A_193 = tpu.memref_slice %arg25[%dma_start3A_191, %dma_start3A_192] : memref<10112x8xf32, #tpu.memory_space<vmem_shared>> -> memref<10112x8xf32, #tpu.memory_space<vmem_shared>>
      tpu.enqueue_indirect_dma source(%arg22 : memref<128x8xf32, #tpu.memory_space<vmem>>) target(%dma_start3A_193 : memref<10112x8xf32, #tpu.memory_space<vmem_shared>>) offsets(%arg16 : memref<128xi32, #tpu.memory_space<vmem>>) semaphore(%arg41 : memref<!tpu.dma_semaphore, #tpu.memory_space<semaphore_mem>>) {add = true}
      %ge3A_194 = arith.constant 3 : i32
      %ge3A_195 = arith.cmpi sge, %add3A_187, %ge3A_194 : i32
      %convert_element_type3A_196 = arith.extui %ge3A_195 : i1 to i32
      %cond3A_197 = arith.constant 0 : i32
      %cond3A_198 = arith.cmpi ne, %convert_element_type3A_196, %cond3A_197 : i32
      scf.if %cond3A_198 {
        %dma_wait3A_271 = arith.constant 0 : i32
        %dma_wait3A_272 = arith.constant 0 : i32
        %dma_wait3A_273 = tpu.memref_slice %arg25[%dma_wait3A_271, %dma_wait3A_272] : memref<10112x8xf32, #tpu.memory_space<vmem_shared>> -> memref<10112x8xf32, #tpu.memory_space<vmem_shared>>
        tpu.wait_indirect_dma semaphore(%arg38 : memref<!tpu.dma_semaphore, #tpu.memory_space<semaphore_mem>>) src(%arg19 : memref<128x8xf32, #tpu.memory_space<vmem>>) dst(%dma_wait3A_273 : memref<10112x8xf32, #tpu.memory_space<vmem_shared>>)
      } else {
      }
      %add3A_199 = arith.constant 3 : i32
      %add3A_200 = arith.addi %add3A_187, %add3A_199 : i32
      %lt3A_201 = arith.constant 84 : i32
      %lt3A_202 = arith.cmpi slt, %add3A_200, %lt3A_201 : i32
      %convert_element_type3A_203 = arith.extui %lt3A_202 : i1 to i32
      %cond3A_204 = arith.constant 0 : i32
      %cond3A_205 = arith.cmpi ne, %convert_element_type3A_203, %cond3A_204 : i32
      scf.if %cond3A_205 {
        %add3A_271 = arith.constant 3 : i32
        %add3A_272 = arith.addi %add3A_187, %add3A_271 : i32
        %dma_start3A_273 = arith.constant 0 : i32
        %dma_start3A_274 = tpu.memref_slice %arg3[%add3A, %add3A_272, %dma_start3A_273] : memref<32x84x128xi32, #tpu.memory_space<hbm>> -> memref<1x1x128xi32, #tpu.memory_space<hbm>>
        %dma_start3A_275 = tpu.memref_squeeze %dma_start3A_274 : memref<1x1x128xi32, #tpu.memory_space<hbm>> -> memref<128xi32, #tpu.memory_space<hbm>>
        %dma_start3A_276 = arith.constant 0 : i32
        %dma_start3A_277 = tpu.memref_slice %arg3[%add3A, %add3A_272, %dma_start3A_276] : memref<32x84x128xi32, #tpu.memory_space<hbm>> -> memref<1x1x128xi32, #tpu.memory_space<hbm>>
        %dma_start3A_278 = tpu.memref_squeeze %dma_start3A_277 : memref<1x1x128xi32, #tpu.memory_space<hbm>> -> memref<128xi32, #tpu.memory_space<hbm>>
        tpu.enqueue_dma source(%dma_start3A_278 : memref<128xi32, #tpu.memory_space<hbm>>) target(%arg7 : memref<128xi32, #tpu.memory_space<vmem>>) target_semaphore(%arg26 : memref<!tpu.dma_semaphore, #tpu.memory_space<semaphore_mem>>)
        %dma_start3A_279 = arith.constant 0 : i32
        %dma_start3A_280 = tpu.memref_slice %arg4[%add3A, %add3A_272, %dma_start3A_279] : memref<32x84x128xi32, #tpu.memory_space<hbm>> -> memref<1x1x128xi32, #tpu.memory_space<hbm>>
        %dma_start3A_281 = tpu.memref_squeeze %dma_start3A_280 : memref<1x1x128xi32, #tpu.memory_space<hbm>> -> memref<128xi32, #tpu.memory_space<hbm>>
        %dma_start3A_282 = arith.constant 0 : i32
        %dma_start3A_283 = tpu.memref_slice %arg4[%add3A, %add3A_272, %dma_start3A_282] : memref<32x84x128xi32, #tpu.memory_space<hbm>> -> memref<1x1x128xi32, #tpu.memory_space<hbm>>
        %dma_start3A_284 = tpu.memref_squeeze %dma_start3A_283 : memref<1x1x128xi32, #tpu.memory_space<hbm>> -> memref<128xi32, #tpu.memory_space<hbm>>
        tpu.enqueue_dma source(%dma_start3A_284 : memref<128xi32, #tpu.memory_space<hbm>>) target(%arg13 : memref<128xi32, #tpu.memory_space<vmem>>) target_semaphore(%arg26 : memref<!tpu.dma_semaphore, #tpu.memory_space<semaphore_mem>>)
      } else {
      }
      %add3A_206 = arith.constant 2 : i32
      %add3A_207 = arith.addi %add3A_187, %add3A_206 : i32
      %lt3A_208 = arith.constant 84 : i32
      %lt3A_209 = arith.cmpi slt, %add3A_207, %lt3A_208 : i32
      %convert_element_type3A_210 = arith.extui %lt3A_209 : i1 to i32
      %cond3A_211 = arith.constant 0 : i32
      %cond3A_212 = arith.cmpi ne, %convert_element_type3A_210, %cond3A_211 : i32
      scf.if %cond3A_212 {
        %dma_wait3A_271 = arith.constant 0 : i32
        %dma_wait3A_272 = arith.constant 0 : i32
        %dma_wait3A_273 = arith.constant 0 : i32
        %dma_wait3A_274 = tpu.memref_slice %arg3[%dma_wait3A_271, %dma_wait3A_272, %dma_wait3A_273] : memref<32x84x128xi32, #tpu.memory_space<hbm>> -> memref<1x1x128xi32, #tpu.memory_space<hbm>>
        %dma_wait3A_275 = tpu.memref_squeeze %dma_wait3A_274 : memref<1x1x128xi32, #tpu.memory_space<hbm>> -> memref<128xi32, #tpu.memory_space<hbm>>
        %dma_wait3A_276 = arith.constant 0 : i32
        %dma_wait3A_277 = tpu.memref_slice %arg3[%dma_wait3A_271, %dma_wait3A_272, %dma_wait3A_276] : memref<32x84x128xi32, #tpu.memory_space<hbm>> -> memref<1x1x128xi32, #tpu.memory_space<hbm>>
        %dma_wait3A_278 = tpu.memref_squeeze %dma_wait3A_277 : memref<1x1x128xi32, #tpu.memory_space<hbm>> -> memref<128xi32, #tpu.memory_space<hbm>>
        tpu.wait_dma2 semaphore(%arg31 : memref<!tpu.dma_semaphore, #tpu.memory_space<semaphore_mem>>) src(%dma_wait3A_278 : memref<128xi32, #tpu.memory_space<hbm>>) dst(%arg12 : memref<128xi32, #tpu.memory_space<vmem>>)
        %dma_wait3A_279 = arith.constant 0 : i32
        %dma_wait3A_280 = arith.constant 0 : i32
        %dma_wait3A_281 = arith.constant 0 : i32
        %dma_wait3A_282 = tpu.memref_slice %arg4[%dma_wait3A_279, %dma_wait3A_280, %dma_wait3A_281] : memref<32x84x128xi32, #tpu.memory_space<hbm>> -> memref<1x1x128xi32, #tpu.memory_space<hbm>>
        %dma_wait3A_283 = tpu.memref_squeeze %dma_wait3A_282 : memref<1x1x128xi32, #tpu.memory_space<hbm>> -> memref<128xi32, #tpu.memory_space<hbm>>
        %dma_wait3A_284 = arith.constant 0 : i32
        %dma_wait3A_285 = tpu.memref_slice %arg4[%dma_wait3A_279, %dma_wait3A_280, %dma_wait3A_284] : memref<32x84x128xi32, #tpu.memory_space<hbm>> -> memref<1x1x128xi32, #tpu.memory_space<hbm>>
        %dma_wait3A_286 = tpu.memref_squeeze %dma_wait3A_285 : memref<1x1x128xi32, #tpu.memory_space<hbm>> -> memref<128xi32, #tpu.memory_space<hbm>>
        tpu.wait_dma2 semaphore(%arg31 : memref<!tpu.dma_semaphore, #tpu.memory_space<semaphore_mem>>) src(%dma_wait3A_286 : memref<128xi32, #tpu.memory_space<hbm>>) dst(%arg18 : memref<128xi32, #tpu.memory_space<vmem>>)
        %dma_start3A_287 = arith.constant 0 : i32
        %dma_start3A_288 = arith.constant 0 : i32
        %dma_start3A_289 = tpu.memref_slice %arg2[%dma_start3A_287, %dma_start3A_288] : memref<10112x8xf32, #tpu.memory_space<hbm>> -> memref<10112x8xf32, #tpu.memory_space<hbm>>
        tpu.enqueue_indirect_dma source(%dma_start3A_289 : memref<10112x8xf32, #tpu.memory_space<hbm>>) target(%arg24 : memref<128x8xf32, #tpu.memory_space<vmem>>) offsets(%arg12 : memref<128xi32, #tpu.memory_space<vmem>>) semaphore(%arg37 : memref<!tpu.dma_semaphore, #tpu.memory_space<semaphore_mem>>)
      } else {
      }
      %mul3A_213 = arith.constant 6 : i32
      %mul3A_214 = arith.muli %mul3A_213, %scan3A_100 : i32
      %add3A_215 = arith.constant 4 : i32
      %add3A_216 = arith.addi %mul3A_214, %add3A_215 : i32
      %dma_wait3A_217 = arith.constant 0 : i32
      %dma_wait3A_218 = arith.constant 0 : i32
      %dma_wait3A_219 = tpu.memref_slice %arg2[%dma_wait3A_217, %dma_wait3A_218] : memref<10112x8xf32, #tpu.memory_space<hbm>> -> memref<10112x8xf32, #tpu.memory_space<hbm>>
      tpu.wait_indirect_dma semaphore(%arg36 : memref<!tpu.dma_semaphore, #tpu.memory_space<semaphore_mem>>) src(%dma_wait3A_219 : memref<10112x8xf32, #tpu.memory_space<hbm>>) dst(%arg23 : memref<128x8xf32, #tpu.memory_space<vmem>>)
      %dma_start3A_220 = arith.constant 0 : i32
      %dma_start3A_221 = arith.constant 0 : i32
      %dma_start3A_222 = tpu.memref_slice %arg25[%dma_start3A_220, %dma_start3A_221] : memref<10112x8xf32, #tpu.memory_space<vmem_shared>> -> memref<10112x8xf32, #tpu.memory_space<vmem_shared>>
      tpu.enqueue_indirect_dma source(%arg23 : memref<128x8xf32, #tpu.memory_space<vmem>>) target(%dma_start3A_222 : memref<10112x8xf32, #tpu.memory_space<vmem_shared>>) offsets(%arg17 : memref<128xi32, #tpu.memory_space<vmem>>) semaphore(%arg42 : memref<!tpu.dma_semaphore, #tpu.memory_space<semaphore_mem>>) {add = true}
      %ge3A_223 = arith.constant 3 : i32
      %ge3A_224 = arith.cmpi sge, %add3A_216, %ge3A_223 : i32
      %convert_element_type3A_225 = arith.extui %ge3A_224 : i1 to i32
      %cond3A_226 = arith.constant 0 : i32
      %cond3A_227 = arith.cmpi ne, %convert_element_type3A_225, %cond3A_226 : i32
      scf.if %cond3A_227 {
        %dma_wait3A_271 = arith.constant 0 : i32
        %dma_wait3A_272 = arith.constant 0 : i32
        %dma_wait3A_273 = tpu.memref_slice %arg25[%dma_wait3A_271, %dma_wait3A_272] : memref<10112x8xf32, #tpu.memory_space<vmem_shared>> -> memref<10112x8xf32, #tpu.memory_space<vmem_shared>>
        tpu.wait_indirect_dma semaphore(%arg39 : memref<!tpu.dma_semaphore, #tpu.memory_space<semaphore_mem>>) src(%arg20 : memref<128x8xf32, #tpu.memory_space<vmem>>) dst(%dma_wait3A_273 : memref<10112x8xf32, #tpu.memory_space<vmem_shared>>)
      } else {
      }
      %add3A_228 = arith.constant 3 : i32
      %add3A_229 = arith.addi %add3A_216, %add3A_228 : i32
      %lt3A_230 = arith.constant 84 : i32
      %lt3A_231 = arith.cmpi slt, %add3A_229, %lt3A_230 : i32
      %convert_element_type3A_232 = arith.extui %lt3A_231 : i1 to i32
      %cond3A_233 = arith.constant 0 : i32
      %cond3A_234 = arith.cmpi ne, %convert_element_type3A_232, %cond3A_233 : i32
      scf.if %cond3A_234 {
        %add3A_271 = arith.constant 3 : i32
        %add3A_272 = arith.addi %add3A_216, %add3A_271 : i32
        %dma_start3A_273 = arith.constant 0 : i32
        %dma_start3A_274 = tpu.memref_slice %arg3[%add3A, %add3A_272, %dma_start3A_273] : memref<32x84x128xi32, #tpu.memory_space<hbm>> -> memref<1x1x128xi32, #tpu.memory_space<hbm>>
        %dma_start3A_275 = tpu.memref_squeeze %dma_start3A_274 : memref<1x1x128xi32, #tpu.memory_space<hbm>> -> memref<128xi32, #tpu.memory_space<hbm>>
        %dma_start3A_276 = arith.constant 0 : i32
        %dma_start3A_277 = tpu.memref_slice %arg3[%add3A, %add3A_272, %dma_start3A_276] : memref<32x84x128xi32, #tpu.memory_space<hbm>> -> memref<1x1x128xi32, #tpu.memory_space<hbm>>
        %dma_start3A_278 = tpu.memref_squeeze %dma_start3A_277 : memref<1x1x128xi32, #tpu.memory_space<hbm>> -> memref<128xi32, #tpu.memory_space<hbm>>
        tpu.enqueue_dma source(%dma_start3A_278 : memref<128xi32, #tpu.memory_space<hbm>>) target(%arg8 : memref<128xi32, #tpu.memory_space<vmem>>) target_semaphore(%arg27 : memref<!tpu.dma_semaphore, #tpu.memory_space<semaphore_mem>>)
        %dma_start3A_279 = arith.constant 0 : i32
        %dma_start3A_280 = tpu.memref_slice %arg4[%add3A, %add3A_272, %dma_start3A_279] : memref<32x84x128xi32, #tpu.memory_space<hbm>> -> memref<1x1x128xi32, #tpu.memory_space<hbm>>
        %dma_start3A_281 = tpu.memref_squeeze %dma_start3A_280 : memref<1x1x128xi32, #tpu.memory_space<hbm>> -> memref<128xi32, #tpu.memory_space<hbm>>
        %dma_start3A_282 = arith.constant 0 : i32
        %dma_start3A_283 = tpu.memref_slice %arg4[%add3A, %add3A_272, %dma_start3A_282] : memref<32x84x128xi32, #tpu.memory_space<hbm>> -> memref<1x1x128xi32, #tpu.memory_space<hbm>>
        %dma_start3A_284 = tpu.memref_squeeze %dma_start3A_283 : memref<1x1x128xi32, #tpu.memory_space<hbm>> -> memref<128xi32, #tpu.memory_space<hbm>>
        tpu.enqueue_dma source(%dma_start3A_284 : memref<128xi32, #tpu.memory_space<hbm>>) target(%arg14 : memref<128xi32, #tpu.memory_space<vmem>>) target_semaphore(%arg27 : memref<!tpu.dma_semaphore, #tpu.memory_space<semaphore_mem>>)
      } else {
      }
      %add3A_235 = arith.constant 2 : i32
      %add3A_236 = arith.addi %add3A_216, %add3A_235 : i32
      %lt3A_237 = arith.constant 84 : i32
      %lt3A_238 = arith.cmpi slt, %add3A_236, %lt3A_237 : i32
      %convert_element_type3A_239 = arith.extui %lt3A_238 : i1 to i32
      %cond3A_240 = arith.constant 0 : i32
      %cond3A_241 = arith.cmpi ne, %convert_element_type3A_239, %cond3A_240 : i32
      scf.if %cond3A_241 {
        %dma_wait3A_271 = arith.constant 0 : i32
        %dma_wait3A_272 = arith.constant 0 : i32
        %dma_wait3A_273 = arith.constant 0 : i32
        %dma_wait3A_274 = tpu.memref_slice %arg3[%dma_wait3A_271, %dma_wait3A_272, %dma_wait3A_273] : memref<32x84x128xi32, #tpu.memory_space<hbm>> -> memref<1x1x128xi32, #tpu.memory_space<hbm>>
        %dma_wait3A_275 = tpu.memref_squeeze %dma_wait3A_274 : memref<1x1x128xi32, #tpu.memory_space<hbm>> -> memref<128xi32, #tpu.memory_space<hbm>>
        %dma_wait3A_276 = arith.constant 0 : i32
        %dma_wait3A_277 = tpu.memref_slice %arg3[%dma_wait3A_271, %dma_wait3A_272, %dma_wait3A_276] : memref<32x84x128xi32, #tpu.memory_space<hbm>> -> memref<1x1x128xi32, #tpu.memory_space<hbm>>
        %dma_wait3A_278 = tpu.memref_squeeze %dma_wait3A_277 : memref<1x1x128xi32, #tpu.memory_space<hbm>> -> memref<128xi32, #tpu.memory_space<hbm>>
        tpu.wait_dma2 semaphore(%arg26 : memref<!tpu.dma_semaphore, #tpu.memory_space<semaphore_mem>>) src(%dma_wait3A_278 : memref<128xi32, #tpu.memory_space<hbm>>) dst(%arg7 : memref<128xi32, #tpu.memory_space<vmem>>)
        %dma_wait3A_279 = arith.constant 0 : i32
        %dma_wait3A_280 = arith.constant 0 : i32
        %dma_wait3A_281 = arith.constant 0 : i32
        %dma_wait3A_282 = tpu.memref_slice %arg4[%dma_wait3A_279, %dma_wait3A_280, %dma_wait3A_281] : memref<32x84x128xi32, #tpu.memory_space<hbm>> -> memref<1x1x128xi32, #tpu.memory_space<hbm>>
        %dma_wait3A_283 = tpu.memref_squeeze %dma_wait3A_282 : memref<1x1x128xi32, #tpu.memory_space<hbm>> -> memref<128xi32, #tpu.memory_space<hbm>>
        %dma_wait3A_284 = arith.constant 0 : i32
        %dma_wait3A_285 = tpu.memref_slice %arg4[%dma_wait3A_279, %dma_wait3A_280, %dma_wait3A_284] : memref<32x84x128xi32, #tpu.memory_space<hbm>> -> memref<1x1x128xi32, #tpu.memory_space<hbm>>
        %dma_wait3A_286 = tpu.memref_squeeze %dma_wait3A_285 : memref<1x1x128xi32, #tpu.memory_space<hbm>> -> memref<128xi32, #tpu.memory_space<hbm>>
        tpu.wait_dma2 semaphore(%arg26 : memref<!tpu.dma_semaphore, #tpu.memory_space<semaphore_mem>>) src(%dma_wait3A_286 : memref<128xi32, #tpu.memory_space<hbm>>) dst(%arg13 : memref<128xi32, #tpu.memory_space<vmem>>)
        %dma_start3A_287 = arith.constant 0 : i32
        %dma_start3A_288 = arith.constant 0 : i32
        %dma_start3A_289 = tpu.memref_slice %arg2[%dma_start3A_287, %dma_start3A_288] : memref<10112x8xf32, #tpu.memory_space<hbm>> -> memref<10112x8xf32, #tpu.memory_space<hbm>>
        tpu.enqueue_indirect_dma source(%dma_start3A_289 : memref<10112x8xf32, #tpu.memory_space<hbm>>) target(%arg19 : memref<128x8xf32, #tpu.memory_space<vmem>>) offsets(%arg7 : memref<128xi32, #tpu.memory_space<vmem>>) semaphore(%arg32 : memref<!tpu.dma_semaphore, #tpu.memory_space<semaphore_mem>>)
      } else {
      }
      %mul3A_242 = arith.constant 6 : i32
      %mul3A_243 = arith.muli %mul3A_242, %scan3A_100 : i32
      %add3A_244 = arith.constant 5 : i32
      %add3A_245 = arith.addi %mul3A_243, %add3A_244 : i32
      %dma_wait3A_246 = arith.constant 0 : i32
      %dma_wait3A_247 = arith.constant 0 : i32
      %dma_wait3A_248 = tpu.memref_slice %arg2[%dma_wait3A_246, %dma_wait3A_247] : memref<10112x8xf32, #tpu.memory_space<hbm>> -> memref<10112x8xf32, #tpu.memory_space<hbm>>
      tpu.wait_indirect_dma semaphore(%arg37 : memref<!tpu.dma_semaphore, #tpu.memory_space<semaphore_mem>>) src(%dma_wait3A_248 : memref<10112x8xf32, #tpu.memory_space<hbm>>) dst(%arg24 : memref<128x8xf32, #tpu.memory_space<vmem>>)
      %dma_start3A_249 = arith.constant 0 : i32
      %dma_start3A_250 = arith.constant 0 : i32
      %dma_start3A_251 = tpu.memref_slice %arg25[%dma_start3A_249, %dma_start3A_250] : memref<10112x8xf32, #tpu.memory_space<vmem_shared>> -> memref<10112x8xf32, #tpu.memory_space<vmem_shared>>
      tpu.enqueue_indirect_dma source(%arg24 : memref<128x8xf32, #tpu.memory_space<vmem>>) target(%dma_start3A_251 : memref<10112x8xf32, #tpu.memory_space<vmem_shared>>) offsets(%arg18 : memref<128xi32, #tpu.memory_space<vmem>>) semaphore(%arg43 : memref<!tpu.dma_semaphore, #tpu.memory_space<semaphore_mem>>) {add = true}
      %ge3A_252 = arith.constant 3 : i32
      %ge3A_253 = arith.cmpi sge, %add3A_245, %ge3A_252 : i32
      %convert_element_type3A_254 = arith.extui %ge3A_253 : i1 to i32
      %cond3A_255 = arith.constant 0 : i32
      %cond3A_256 = arith.cmpi ne, %convert_element_type3A_254, %cond3A_255 : i32
      scf.if %cond3A_256 {
        %dma_wait3A_271 = arith.constant 0 : i32
        %dma_wait3A_272 = arith.constant 0 : i32
        %dma_wait3A_273 = tpu.memref_slice %arg25[%dma_wait3A_271, %dma_wait3A_272] : memref<10112x8xf32, #tpu.memory_space<vmem_shared>> -> memref<10112x8xf32, #tpu.memory_space<vmem_shared>>
        tpu.wait_indirect_dma semaphore(%arg40 : memref<!tpu.dma_semaphore, #tpu.memory_space<semaphore_mem>>) src(%arg21 : memref<128x8xf32, #tpu.memory_space<vmem>>) dst(%dma_wait3A_273 : memref<10112x8xf32, #tpu.memory_space<vmem_shared>>)
      } else {
      }
      %add3A_257 = arith.constant 3 : i32
      %add3A_258 = arith.addi %add3A_245, %add3A_257 : i32
      %lt3A_259 = arith.constant 84 : i32
      %lt3A_260 = arith.cmpi slt, %add3A_258, %lt3A_259 : i32
      %convert_element_type3A_261 = arith.extui %lt3A_260 : i1 to i32
      %cond3A_262 = arith.constant 0 : i32
      %cond3A_263 = arith.cmpi ne, %convert_element_type3A_261, %cond3A_262 : i32
      scf.if %cond3A_263 {
        %add3A_271 = arith.constant 3 : i32
        %add3A_272 = arith.addi %add3A_245, %add3A_271 : i32
        %dma_start3A_273 = arith.constant 0 : i32
        %dma_start3A_274 = tpu.memref_slice %arg3[%add3A, %add3A_272, %dma_start3A_273] : memref<32x84x128xi32, #tpu.memory_space<hbm>> -> memref<1x1x128xi32, #tpu.memory_space<hbm>>
        %dma_start3A_275 = tpu.memref_squeeze %dma_start3A_274 : memref<1x1x128xi32, #tpu.memory_space<hbm>> -> memref<128xi32, #tpu.memory_space<hbm>>
        %dma_start3A_276 = arith.constant 0 : i32
        %dma_start3A_277 = tpu.memref_slice %arg3[%add3A, %add3A_272, %dma_start3A_276] : memref<32x84x128xi32, #tpu.memory_space<hbm>> -> memref<1x1x128xi32, #tpu.memory_space<hbm>>
        %dma_start3A_278 = tpu.memref_squeeze %dma_start3A_277 : memref<1x1x128xi32, #tpu.memory_space<hbm>> -> memref<128xi32, #tpu.memory_space<hbm>>
        tpu.enqueue_dma source(%dma_start3A_278 : memref<128xi32, #tpu.memory_space<hbm>>) target(%arg9 : memref<128xi32, #tpu.memory_space<vmem>>) target_semaphore(%arg28 : memref<!tpu.dma_semaphore, #tpu.memory_space<semaphore_mem>>)
        %dma_start3A_279 = arith.constant 0 : i32
        %dma_start3A_280 = tpu.memref_slice %arg4[%add3A, %add3A_272, %dma_start3A_279] : memref<32x84x128xi32, #tpu.memory_space<hbm>> -> memref<1x1x128xi32, #tpu.memory_space<hbm>>
        %dma_start3A_281 = tpu.memref_squeeze %dma_start3A_280 : memref<1x1x128xi32, #tpu.memory_space<hbm>> -> memref<128xi32, #tpu.memory_space<hbm>>
        %dma_start3A_282 = arith.constant 0 : i32
        %dma_start3A_283 = tpu.memref_slice %arg4[%add3A, %add3A_272, %dma_start3A_282] : memref<32x84x128xi32, #tpu.memory_space<hbm>> -> memref<1x1x128xi32, #tpu.memory_space<hbm>>
        %dma_start3A_284 = tpu.memref_squeeze %dma_start3A_283 : memref<1x1x128xi32, #tpu.memory_space<hbm>> -> memref<128xi32, #tpu.memory_space<hbm>>
        tpu.enqueue_dma source(%dma_start3A_284 : memref<128xi32, #tpu.memory_space<hbm>>) target(%arg15 : memref<128xi32, #tpu.memory_space<vmem>>) target_semaphore(%arg28 : memref<!tpu.dma_semaphore, #tpu.memory_space<semaphore_mem>>)
      } else {
      }
      %add3A_264 = arith.constant 2 : i32
      %add3A_265 = arith.addi %add3A_245, %add3A_264 : i32
      %lt3A_266 = arith.constant 84 : i32
      %lt3A_267 = arith.cmpi slt, %add3A_265, %lt3A_266 : i32
      %convert_element_type3A_268 = arith.extui %lt3A_267 : i1 to i32
      %cond3A_269 = arith.constant 0 : i32
      %cond3A_270 = arith.cmpi ne, %convert_element_type3A_268, %cond3A_269 : i32
      scf.if %cond3A_270 {
        %dma_wait3A_271 = arith.constant 0 : i32
        %dma_wait3A_272 = arith.constant 0 : i32
        %dma_wait3A_273 = arith.constant 0 : i32
        %dma_wait3A_274 = tpu.memref_slice %arg3[%dma_wait3A_271, %dma_wait3A_272, %dma_wait3A_273] : memref<32x84x128xi32, #tpu.memory_space<hbm>> -> memref<1x1x128xi32, #tpu.memory_space<hbm>>
        %dma_wait3A_275 = tpu.memref_squeeze %dma_wait3A_274 : memref<1x1x128xi32, #tpu.memory_space<hbm>> -> memref<128xi32, #tpu.memory_space<hbm>>
        %dma_wait3A_276 = arith.constant 0 : i32
        %dma_wait3A_277 = tpu.memref_slice %arg3[%dma_wait3A_271, %dma_wait3A_272, %dma_wait3A_276] : memref<32x84x128xi32, #tpu.memory_space<hbm>> -> memref<1x1x128xi32, #tpu.memory_space<hbm>>
        %dma_wait3A_278 = tpu.memref_squeeze %dma_wait3A_277 : memref<1x1x128xi32, #tpu.memory_space<hbm>> -> memref<128xi32, #tpu.memory_space<hbm>>
        tpu.wait_dma2 semaphore(%arg27 : memref<!tpu.dma_semaphore, #tpu.memory_space<semaphore_mem>>) src(%dma_wait3A_278 : memref<128xi32, #tpu.memory_space<hbm>>) dst(%arg8 : memref<128xi32, #tpu.memory_space<vmem>>)
        %dma_wait3A_279 = arith.constant 0 : i32
        %dma_wait3A_280 = arith.constant 0 : i32
        %dma_wait3A_281 = arith.constant 0 : i32
        %dma_wait3A_282 = tpu.memref_slice %arg4[%dma_wait3A_279, %dma_wait3A_280, %dma_wait3A_281] : memref<32x84x128xi32, #tpu.memory_space<hbm>> -> memref<1x1x128xi32, #tpu.memory_space<hbm>>
        %dma_wait3A_283 = tpu.memref_squeeze %dma_wait3A_282 : memref<1x1x128xi32, #tpu.memory_space<hbm>> -> memref<128xi32, #tpu.memory_space<hbm>>
        %dma_wait3A_284 = arith.constant 0 : i32
        %dma_wait3A_285 = tpu.memref_slice %arg4[%dma_wait3A_279, %dma_wait3A_280, %dma_wait3A_284] : memref<32x84x128xi32, #tpu.memory_space<hbm>> -> memref<1x1x128xi32, #tpu.memory_space<hbm>>
        %dma_wait3A_286 = tpu.memref_squeeze %dma_wait3A_285 : memref<1x1x128xi32, #tpu.memory_space<hbm>> -> memref<128xi32, #tpu.memory_space<hbm>>
        tpu.wait_dma2 semaphore(%arg27 : memref<!tpu.dma_semaphore, #tpu.memory_space<semaphore_mem>>) src(%dma_wait3A_286 : memref<128xi32, #tpu.memory_space<hbm>>) dst(%arg14 : memref<128xi32, #tpu.memory_space<vmem>>)
        %dma_start3A_287 = arith.constant 0 : i32
        %dma_start3A_288 = arith.constant 0 : i32
        %dma_start3A_289 = tpu.memref_slice %arg2[%dma_start3A_287, %dma_start3A_288] : memref<10112x8xf32, #tpu.memory_space<hbm>> -> memref<10112x8xf32, #tpu.memory_space<hbm>>
        tpu.enqueue_indirect_dma source(%dma_start3A_289 : memref<10112x8xf32, #tpu.memory_space<hbm>>) target(%arg20 : memref<128x8xf32, #tpu.memory_space<vmem>>) offsets(%arg8 : memref<128xi32, #tpu.memory_space<vmem>>) semaphore(%arg33 : memref<!tpu.dma_semaphore, #tpu.memory_space<semaphore_mem>>)
      } else {
      }
    }
    %scan3A_85 = arith.constant 14 : i32
    %dma_wait3A_86 = arith.constant 0 : i32
    %dma_wait3A_87 = arith.constant 0 : i32
    %dma_wait3A_88 = tpu.memref_slice %arg25[%dma_wait3A_86, %dma_wait3A_87] : memref<10112x8xf32, #tpu.memory_space<vmem_shared>> -> memref<10112x8xf32, #tpu.memory_space<vmem_shared>>
    tpu.wait_indirect_dma semaphore(%arg41 : memref<!tpu.dma_semaphore, #tpu.memory_space<semaphore_mem>>) src(%arg22 : memref<128x8xf32, #tpu.memory_space<vmem>>) dst(%dma_wait3A_88 : memref<10112x8xf32, #tpu.memory_space<vmem_shared>>)
    %dma_wait3A_89 = arith.constant 0 : i32
    %dma_wait3A_90 = arith.constant 0 : i32
    %dma_wait3A_91 = tpu.memref_slice %arg25[%dma_wait3A_89, %dma_wait3A_90] : memref<10112x8xf32, #tpu.memory_space<vmem_shared>> -> memref<10112x8xf32, #tpu.memory_space<vmem_shared>>
    tpu.wait_indirect_dma semaphore(%arg42 : memref<!tpu.dma_semaphore, #tpu.memory_space<semaphore_mem>>) src(%arg23 : memref<128x8xf32, #tpu.memory_space<vmem>>) dst(%dma_wait3A_91 : memref<10112x8xf32, #tpu.memory_space<vmem_shared>>)
    %dma_wait3A_92 = arith.constant 0 : i32
    %dma_wait3A_93 = arith.constant 0 : i32
    %dma_wait3A_94 = tpu.memref_slice %arg25[%dma_wait3A_92, %dma_wait3A_93] : memref<10112x8xf32, #tpu.memory_space<vmem_shared>> -> memref<10112x8xf32, #tpu.memory_space<vmem_shared>>
    tpu.wait_indirect_dma semaphore(%arg43 : memref<!tpu.dma_semaphore, #tpu.memory_space<semaphore_mem>>) src(%arg24 : memref<128x8xf32, #tpu.memory_space<vmem>>) dst(%dma_wait3A_94 : memref<10112x8xf32, #tpu.memory_space<vmem_shared>>)
    %barrier3A_95 = arith.constant 0 : index
    tpu.barrier barrier_id(%barrier3A_95)
    %mul3A_96 = arith.constant 632 : i32
    %mul3A_97 = arith.muli %arg1, %mul3A_96 : i32
    %mul3A_98 = arith.constant 632 : i32
    %mul3A_99 = arith.muli %arg1, %mul3A_98 : i32
    "tpu.region"() ({
      %run_scoped3A = tpu.sem_alloc : memref<!tpu.dma_semaphore, #tpu.memory_space<semaphore_mem>>
      %dma_start3A_100 = arith.constant 0 : i32
      %dma_start3A_101 = tpu.memref_slice %arg6[%arg0, %mul3A_99, %dma_start3A_100] : memref<2x10112x8xf32, #tpu.memory_space<hbm>> -> memref<1x632x8xf32, #tpu.memory_space<hbm>>
      %dma_start3A_102 = tpu.memref_squeeze %dma_start3A_101 : memref<1x632x8xf32, #tpu.memory_space<hbm>> -> memref<632x8xf32, #tpu.memory_space<hbm>>
      %dma_start3A_103 = arith.constant 0 : i32
      %dma_start3A_104 = tpu.memref_slice %arg25[%mul3A_97, %dma_start3A_103] : memref<10112x8xf32, #tpu.memory_space<vmem_shared>> -> memref<632x8xf32, #tpu.memory_space<vmem_shared>>
      tpu.enqueue_dma source(%dma_start3A_104 : memref<632x8xf32, #tpu.memory_space<vmem_shared>>) target(%dma_start3A_102 : memref<632x8xf32, #tpu.memory_space<hbm>>) target_semaphore(%run_scoped3A : memref<!tpu.dma_semaphore, #tpu.memory_space<semaphore_mem>>)
      %dma_wait3A_105 = arith.constant 0 : i32
      %dma_wait3A_106 = tpu.memref_slice %arg6[%arg0, %mul3A_99, %dma_wait3A_105] : memref<2x10112x8xf32, #tpu.memory_space<hbm>> -> memref<1x632x8xf32, #tpu.memory_space<hbm>>
      %dma_wait3A_107 = tpu.memref_squeeze %dma_wait3A_106 : memref<1x632x8xf32, #tpu.memory_space<hbm>> -> memref<632x8xf32, #tpu.memory_space<hbm>>
      %dma_wait3A_108 = arith.constant 0 : i32
      %dma_wait3A_109 = tpu.memref_slice %arg25[%mul3A_97, %dma_wait3A_108] : memref<10112x8xf32, #tpu.memory_space<vmem_shared>> -> memref<632x8xf32, #tpu.memory_space<vmem_shared>>
      tpu.wait_dma2 semaphore(%run_scoped3A : memref<!tpu.dma_semaphore, #tpu.memory_space<semaphore_mem>>) src(%dma_wait3A_109 : memref<632x8xf32, #tpu.memory_space<vmem_shared>>) dst(%dma_wait3A_107 : memref<632x8xf32, #tpu.memory_space<hbm>>)
      tpu.yield
    }) : () -> ()
    return
  }
}

module attributes {stable_mosaic.version = 14 : i64} {
  func.func @_k2_body(%arg0: memref<2x10112x8xf32, #tpu.memory_space<vmem>>, %arg1: memref<10112x8xf32, #tpu.memory_space<vmem>>, %arg2: memref<8x128xf32, #tpu.memory_space<vmem>>, %arg3: memref<128x128xf32, #tpu.memory_space<vmem>>, %arg4: memref<128x128xf32, #tpu.memory_space<vmem>>, %arg5: memref<1x128xf32, #tpu.memory_space<vmem>>, %arg6: memref<1x128xf32, #tpu.memory_space<vmem>>, %arg7: memref<1x128xf32, #tpu.memory_space<vmem>>, %arg8: memref<10112x128xf32, #tpu.memory_space<vmem>>, %arg9: memref<10112x1xf32, #tpu.memory_space<vmem>>) attributes {dimension_semantics = [], scalar_prefetch = 0 : i64, scratch_operands = 0 : i64, tpu.core_type = #tpu.core_type<tc>} {
    %get3A = arith.constant 0 : index
    %get3A_0 = arith.constant 0 : index
    %get3A_1 = arith.constant 0 : index
    %get3A_2 = vector.load %arg0[%get3A, %get3A_0, %get3A_1] : memref<2x10112x8xf32, #tpu.memory_space<vmem>>, vector<1x10112x8xf32>
    %get3A_3 = vector.shape_cast %get3A_2 : vector<1x10112x8xf32> to vector<10112x8xf32>
    %get3A_4 = arith.constant 1 : index
    %get3A_5 = arith.constant 0 : index
    %get3A_6 = arith.constant 0 : index
    %get3A_7 = vector.load %arg0[%get3A_4, %get3A_5, %get3A_6] : memref<2x10112x8xf32, #tpu.memory_space<vmem>>, vector<1x10112x8xf32>
    %get3A_8 = vector.shape_cast %get3A_7 : vector<1x10112x8xf32> to vector<10112x8xf32>
    %add3A = arith.addf %get3A_3, %get3A_8 : vector<10112x8xf32>
    %slice3A = vector.extract_strided_slice %add3A {offsets = [0, 2], sizes = [10112, 1], strides = [1, 1]} : vector<10112x8xf32> to vector<10112x1xf32>
    %max3A = arith.constant 1.000000e+00 : f32
    %max3A_9 = vector.broadcast %max3A : f32 to vector<10112x1xf32>
    %max3A_10 = arith.maximumf %slice3A, %max3A_9 : vector<10112x1xf32>
    %div3A = arith.constant 1.000000e+00 : f32
    %div3A_11 = vector.broadcast %div3A : f32 to vector<10112x1xf32>
    %div3A_12 = arith.divf %div3A_11, %max3A_10 : vector<10112x1xf32>
    %mul3A = vector.broadcast %div3A_12 : vector<10112x1xf32> to vector<10112x8xf32>
    %mul3A_13 = arith.mulf %add3A, %mul3A : vector<10112x8xf32>
    %get3A_14 = arith.constant 0 : index
    %get3A_15 = arith.constant 0 : index
    %get3A_16 = vector.load %arg2[%get3A_14, %get3A_15] : memref<8x128xf32, #tpu.memory_space<vmem>>, vector<8x128xf32>
    %get3A_17 = arith.constant 0 : index
    %get3A_18 = arith.constant 0 : index
    %get3A_19 = vector.load %arg3[%get3A_17, %get3A_18] : memref<128x128xf32, #tpu.memory_space<vmem>>, vector<128x128xf32>
    %dot_general3A = arith.constant dense<0.000000e+00> : vector<8x128xf32>
    %dot_general3A_20 = tpu.matmul %get3A_16, %get3A_19, %dot_general3A {dimension_numbers = #tpu.dot_dimension_numbers<[1], [0], [0], [1], [0, 0, 1, 1], [], []>, transpose_lhs_hint = false} : vector<8x128xf32>, vector<128x128xf32>, vector<8x128xf32> -> vector<8x128xf32>
    %get3A_21 = arith.constant 0 : index
    %get3A_22 = arith.constant 0 : index
    %get3A_23 = vector.load %arg2[%get3A_21, %get3A_22] : memref<8x128xf32, #tpu.memory_space<vmem>>, vector<8x128xf32>
    %get3A_24 = arith.constant 0 : index
    %get3A_25 = arith.constant 0 : index
    %get3A_26 = vector.load %arg4[%get3A_24, %get3A_25] : memref<128x128xf32, #tpu.memory_space<vmem>>, vector<128x128xf32>
    %dot_general3A_27 = arith.constant dense<0.000000e+00> : vector<8x128xf32>
    %dot_general3A_28 = tpu.matmul %get3A_23, %get3A_26, %dot_general3A_27 {dimension_numbers = #tpu.dot_dimension_numbers<[1], [0], [0], [1], [0, 0, 1, 1], [], []>, transpose_lhs_hint = false} : vector<8x128xf32>, vector<128x128xf32>, vector<8x128xf32> -> vector<8x128xf32>
    %dot_general3A_29 = arith.constant dense<0.000000e+00> : vector<10112x128xf32>
    %dot_general3A_30 = tpu.matmul %mul3A_13, %dot_general3A_20, %dot_general3A_29 {dimension_numbers = #tpu.dot_dimension_numbers<[1], [0], [0], [1], [0, 0, 1, 1], [], []>, transpose_lhs_hint = false} : vector<10112x8xf32>, vector<8x128xf32>, vector<10112x128xf32> -> vector<10112x128xf32>
    %get3A_31 = arith.constant 0 : index
    %get3A_32 = arith.constant 0 : index
    %get3A_33 = vector.load %arg1[%get3A_31, %get3A_32] : memref<10112x8xf32, #tpu.memory_space<vmem>>, vector<10112x8xf32>
    %dot_general3A_34 = arith.constant dense<0.000000e+00> : vector<10112x128xf32>
    %dot_general3A_35 = tpu.matmul %get3A_33, %dot_general3A_28, %dot_general3A_34 {dimension_numbers = #tpu.dot_dimension_numbers<[1], [0], [0], [1], [0, 0, 1, 1], [], []>, transpose_lhs_hint = false} : vector<10112x8xf32>, vector<8x128xf32>, vector<10112x128xf32> -> vector<10112x128xf32>
    %add3A_36 = arith.addf %dot_general3A_30, %dot_general3A_35 : vector<10112x128xf32>
    %get3A_37 = arith.constant 0 : index
    %get3A_38 = arith.constant 0 : index
    %get3A_39 = vector.load %arg5[%get3A_37, %get3A_38] : memref<1x128xf32, #tpu.memory_space<vmem>>, vector<1x128xf32>
    %add3A_40 = vector.broadcast %get3A_39 : vector<1x128xf32> to vector<10112x128xf32>
    %add3A_41 = arith.addf %add3A_36, %add3A_40 : vector<10112x128xf32>
    %iota3A = tpu.iota {dimensions = array<i32: 0>} : vector<10112x1xi32>
    %lt3A = arith.constant 10000 : i32
    %lt3A_42 = vector.broadcast %lt3A : i32 to vector<10112x1xi32>
    %lt3A_43 = arith.cmpi slt, %iota3A, %lt3A_42 : vector<10112x1xi32>
    %convert_element_type3A = arith.extui %lt3A_43 : vector<10112x1xi1> to vector<10112x1xi32>
    %convert_element_type3A_44 = arith.sitofp %convert_element_type3A : vector<10112x1xi32> to vector<10112x1xf32>
    %mul3A_45 = vector.broadcast %convert_element_type3A_44 : vector<10112x1xf32> to vector<10112x128xf32>
    %mul3A_46 = arith.mulf %add3A_41, %mul3A_45 : vector<10112x128xf32>
    %reduce_sum3A = arith.constant dense<0.000000e+00> : vector<128xf32>
    %reduce_sum3A_47 = vector.multi_reduction <add>, %mul3A_46, %reduce_sum3A [0] : vector<10112x128xf32> to vector<128xf32>
    %broadcast_in_dim3A = vector.shape_cast %reduce_sum3A_47 : vector<128xf32> to vector<1x128xf32>
    %div3A_48 = arith.constant 1.000000e+04 : f32
    %div3A_49 = vector.broadcast %div3A_48 : f32 to vector<1x128xf32>
    %div3A_50 = arith.divf %broadcast_in_dim3A, %div3A_49 : vector<1x128xf32>
    %sub3A = vector.broadcast %div3A_50 : vector<1x128xf32> to vector<10112x128xf32>
    %sub3A_51 = arith.subf %add3A_41, %sub3A : vector<10112x128xf32>
    %mul3A_52 = vector.broadcast %convert_element_type3A_44 : vector<10112x1xf32> to vector<10112x128xf32>
    %mul3A_53 = arith.mulf %sub3A_51, %mul3A_52 : vector<10112x128xf32>
    %mul3A_54 = arith.mulf %mul3A_53, %mul3A_53 : vector<10112x128xf32>
    %reduce_sum3A_55 = arith.constant dense<0.000000e+00> : vector<128xf32>
    %reduce_sum3A_56 = vector.multi_reduction <add>, %mul3A_54, %reduce_sum3A_55 [0] : vector<10112x128xf32> to vector<128xf32>
    %broadcast_in_dim3A_57 = vector.shape_cast %reduce_sum3A_56 : vector<128xf32> to vector<1x128xf32>
    %div3A_58 = arith.constant 1.000000e+04 : f32
    %div3A_59 = vector.broadcast %div3A_58 : f32 to vector<1x128xf32>
    %div3A_60 = arith.divf %broadcast_in_dim3A_57, %div3A_59 : vector<1x128xf32>
    %sub3A_61 = vector.broadcast %div3A_50 : vector<1x128xf32> to vector<10112x128xf32>
    %sub3A_62 = arith.subf %add3A_41, %sub3A_61 : vector<10112x128xf32>
    %add3A_63 = arith.constant 9.99999974E-6 : f32
    %add3A_64 = vector.broadcast %add3A_63 : f32 to vector<1x128xf32>
    %add3A_65 = arith.addf %div3A_60, %add3A_64 : vector<1x128xf32>
    %sqrt3A = math.sqrt %add3A_65 : vector<1x128xf32>
    %div3A_66 = vector.broadcast %sqrt3A : vector<1x128xf32> to vector<10112x128xf32>
    %div3A_67 = arith.divf %sub3A_62, %div3A_66 : vector<10112x128xf32>
    %get3A_68 = arith.constant 0 : index
    %get3A_69 = arith.constant 0 : index
    %get3A_70 = vector.load %arg6[%get3A_68, %get3A_69] : memref<1x128xf32, #tpu.memory_space<vmem>>, vector<1x128xf32>
    %mul3A_71 = vector.broadcast %get3A_70 : vector<1x128xf32> to vector<10112x128xf32>
    %mul3A_72 = arith.mulf %div3A_67, %mul3A_71 : vector<10112x128xf32>
    %get3A_73 = arith.constant 0 : index
    %get3A_74 = arith.constant 0 : index
    %get3A_75 = vector.load %arg7[%get3A_73, %get3A_74] : memref<1x128xf32, #tpu.memory_space<vmem>>, vector<1x128xf32>
    %add3A_76 = vector.broadcast %get3A_75 : vector<1x128xf32> to vector<10112x128xf32>
    %add3A_77 = arith.addf %mul3A_72, %add3A_76 : vector<10112x128xf32>
    %max3A_78 = arith.constant 0.000000e+00 : f32
    %max3A_79 = vector.broadcast %max3A_78 : f32 to vector<10112x128xf32>
    %max3A_80 = arith.maximumf %add3A_77, %max3A_79 : vector<10112x128xf32>
    %mul3A_81 = vector.broadcast %convert_element_type3A_44 : vector<10112x1xf32> to vector<10112x128xf32>
    %mul3A_82 = arith.mulf %max3A_80, %mul3A_81 : vector<10112x128xf32>
    %swap3A = arith.constant 0 : index
    %swap3A_83 = arith.constant 0 : index
    %swap3A_84 = vector.load %arg8[%swap3A, %swap3A_83] : memref<10112x128xf32, #tpu.memory_space<vmem>>, vector<10112x128xf32>
    tpu.vector_store %arg8[%swap3A, %swap3A_83], %mul3A_82 {strides = array<i32>} : memref<10112x128xf32, #tpu.memory_space<vmem>>, vector<10112x128xf32>,
    %swap3A_85 = arith.constant 0 : index
    %swap3A_86 = arith.constant 0 : index
    %swap3A_87 = vector.load %arg9[%swap3A_85, %swap3A_86] : memref<10112x1xf32, #tpu.memory_space<vmem>>, vector<10112x1xf32>
    tpu.vector_store %arg9[%swap3A_85, %swap3A_86], %div3A_12 {strides = array<i32>} : memref<10112x1xf32, #tpu.memory_space<vmem>>, vector<10112x1xf32>,
    return
  }
}

module attributes {stable_mosaic.version = 14 : i64} {
  func.func @_k4_body(%arg0: memref<2x10112x128xf32, #tpu.memory_space<vmem>>, %arg1: memref<10112x128xf32, #tpu.memory_space<vmem>>, %arg2: memref<10112x1xf32, #tpu.memory_space<vmem>>, %arg3: memref<1x10112xi32, #tpu.memory_space<vmem>>, %arg4: memref<10112x1xf32, #tpu.memory_space<vmem>>, %arg5: memref<1x10112xi32, #tpu.memory_space<vmem>>, %arg6: memref<1264x1xi32, #tpu.memory_space<vmem>>, %arg7: memref<1264x1xi32, #tpu.memory_space<vmem>>, %arg8: memref<128x128xf32, #tpu.memory_space<vmem>>, %arg9: memref<128x128xf32, #tpu.memory_space<vmem>>, %arg10: memref<1x128xf32, #tpu.memory_space<vmem>>, %arg11: memref<1x128xf32, #tpu.memory_space<vmem>>, %arg12: memref<1x128xf32, #tpu.memory_space<vmem>>, %arg13: memref<64x256xf32, #tpu.memory_space<vmem>>) attributes {dimension_semantics = [], scalar_prefetch = 0 : i64, scratch_operands = 0 : i64, tpu.core_type = #tpu.core_type<tc>} {
    %get3A = arith.constant 0 : index
    %get3A_0 = arith.constant 0 : index
    %get3A_1 = arith.constant 0 : index
    %get3A_2 = vector.load %arg0[%get3A, %get3A_0, %get3A_1] : memref<2x10112x128xf32, #tpu.memory_space<vmem>>, vector<1x10112x128xf32>
    %get3A_3 = vector.shape_cast %get3A_2 : vector<1x10112x128xf32> to vector<10112x128xf32>
    %get3A_4 = arith.constant 1 : index
    %get3A_5 = arith.constant 0 : index
    %get3A_6 = arith.constant 0 : index
    %get3A_7 = vector.load %arg0[%get3A_4, %get3A_5, %get3A_6] : memref<2x10112x128xf32, #tpu.memory_space<vmem>>, vector<1x10112x128xf32>
    %get3A_8 = vector.shape_cast %get3A_7 : vector<1x10112x128xf32> to vector<10112x128xf32>
    %add3A = arith.addf %get3A_3, %get3A_8 : vector<10112x128xf32>
    %get3A_9 = arith.constant 0 : index
    %get3A_10 = arith.constant 0 : index
    %get3A_11 = vector.load %arg2[%get3A_9, %get3A_10] : memref<10112x1xf32, #tpu.memory_space<vmem>>, vector<10112x1xf32>
    %mul3A = vector.broadcast %get3A_11 : vector<10112x1xf32> to vector<10112x128xf32>
    %mul3A_12 = arith.mulf %add3A, %mul3A : vector<10112x128xf32>
    %get3A_13 = arith.constant 0 : index
    %get3A_14 = arith.constant 0 : index
    %get3A_15 = vector.load %arg8[%get3A_13, %get3A_14] : memref<128x128xf32, #tpu.memory_space<vmem>>, vector<128x128xf32>
    %dot_general3A = arith.constant dense<0.000000e+00> : vector<10112x128xf32>
    %dot_general3A_16 = tpu.matmul %mul3A_12, %get3A_15, %dot_general3A {dimension_numbers = #tpu.dot_dimension_numbers<[1], [0], [0], [1], [0, 0, 1, 1], [], []>, transpose_lhs_hint = false} : vector<10112x128xf32>, vector<128x128xf32>, vector<10112x128xf32> -> vector<10112x128xf32>
    %get3A_17 = arith.constant 0 : index
    %get3A_18 = arith.constant 0 : index
    %get3A_19 = vector.load %arg1[%get3A_17, %get3A_18] : memref<10112x128xf32, #tpu.memory_space<vmem>>, vector<10112x128xf32>
    %get3A_20 = arith.constant 0 : index
    %get3A_21 = arith.constant 0 : index
    %get3A_22 = vector.load %arg9[%get3A_20, %get3A_21] : memref<128x128xf32, #tpu.memory_space<vmem>>, vector<128x128xf32>
    %dot_general3A_23 = arith.constant dense<0.000000e+00> : vector<10112x128xf32>
    %dot_general3A_24 = tpu.matmul %get3A_19, %get3A_22, %dot_general3A_23 {dimension_numbers = #tpu.dot_dimension_numbers<[1], [0], [0], [1], [0, 0, 1, 1], [], []>, transpose_lhs_hint = false} : vector<10112x128xf32>, vector<128x128xf32>, vector<10112x128xf32> -> vector<10112x128xf32>
    %add3A_25 = arith.addf %dot_general3A_16, %dot_general3A_24 : vector<10112x128xf32>
    %get3A_26 = arith.constant 0 : index
    %get3A_27 = arith.constant 0 : index
    %get3A_28 = vector.load %arg10[%get3A_26, %get3A_27] : memref<1x128xf32, #tpu.memory_space<vmem>>, vector<1x128xf32>
    %add3A_29 = vector.broadcast %get3A_28 : vector<1x128xf32> to vector<10112x128xf32>
    %add3A_30 = arith.addf %add3A_25, %add3A_29 : vector<10112x128xf32>
    %iota3A = tpu.iota {dimensions = array<i32: 0>} : vector<10112x1xi32>
    %lt3A = arith.constant 10000 : i32
    %lt3A_31 = vector.broadcast %lt3A : i32 to vector<10112x1xi32>
    %lt3A_32 = arith.cmpi slt, %iota3A, %lt3A_31 : vector<10112x1xi32>
    %convert_element_type3A = arith.extui %lt3A_32 : vector<10112x1xi1> to vector<10112x1xi32>
    %convert_element_type3A_33 = arith.sitofp %convert_element_type3A : vector<10112x1xi32> to vector<10112x1xf32>
    %mul3A_34 = vector.broadcast %convert_element_type3A_33 : vector<10112x1xf32> to vector<10112x128xf32>
    %mul3A_35 = arith.mulf %add3A_30, %mul3A_34 : vector<10112x128xf32>
    %reduce_sum3A = arith.constant dense<0.000000e+00> : vector<128xf32>
    %reduce_sum3A_36 = vector.multi_reduction <add>, %mul3A_35, %reduce_sum3A [0] : vector<10112x128xf32> to vector<128xf32>
    %broadcast_in_dim3A = vector.shape_cast %reduce_sum3A_36 : vector<128xf32> to vector<1x128xf32>
    %div3A = arith.constant 1.000000e+04 : f32
    %div3A_37 = vector.broadcast %div3A : f32 to vector<1x128xf32>
    %div3A_38 = arith.divf %broadcast_in_dim3A, %div3A_37 : vector<1x128xf32>
    %sub3A = vector.broadcast %div3A_38 : vector<1x128xf32> to vector<10112x128xf32>
    %sub3A_39 = arith.subf %add3A_30, %sub3A : vector<10112x128xf32>
    %mul3A_40 = vector.broadcast %convert_element_type3A_33 : vector<10112x1xf32> to vector<10112x128xf32>
    %mul3A_41 = arith.mulf %sub3A_39, %mul3A_40 : vector<10112x128xf32>
    %mul3A_42 = arith.mulf %mul3A_41, %mul3A_41 : vector<10112x128xf32>
    %reduce_sum3A_43 = arith.constant dense<0.000000e+00> : vector<128xf32>
    %reduce_sum3A_44 = vector.multi_reduction <add>, %mul3A_42, %reduce_sum3A_43 [0] : vector<10112x128xf32> to vector<128xf32>
    %broadcast_in_dim3A_45 = vector.shape_cast %reduce_sum3A_44 : vector<128xf32> to vector<1x128xf32>
    %div3A_46 = arith.constant 1.000000e+04 : f32
    %div3A_47 = vector.broadcast %div3A_46 : f32 to vector<1x128xf32>
    %div3A_48 = arith.divf %broadcast_in_dim3A_45, %div3A_47 : vector<1x128xf32>
    %sub3A_49 = vector.broadcast %div3A_38 : vector<1x128xf32> to vector<10112x128xf32>
    %sub3A_50 = arith.subf %add3A_30, %sub3A_49 : vector<10112x128xf32>
    %add3A_51 = arith.constant 9.99999974E-6 : f32
    %add3A_52 = vector.broadcast %add3A_51 : f32 to vector<1x128xf32>
    %add3A_53 = arith.addf %div3A_48, %add3A_52 : vector<1x128xf32>
    %sqrt3A = math.sqrt %add3A_53 : vector<1x128xf32>
    %div3A_54 = vector.broadcast %sqrt3A : vector<1x128xf32> to vector<10112x128xf32>
    %div3A_55 = arith.divf %sub3A_50, %div3A_54 : vector<10112x128xf32>
    %get3A_56 = arith.constant 0 : index
    %get3A_57 = arith.constant 0 : index
    %get3A_58 = vector.load %arg11[%get3A_56, %get3A_57] : memref<1x128xf32, #tpu.memory_space<vmem>>, vector<1x128xf32>
    %mul3A_59 = vector.broadcast %get3A_58 : vector<1x128xf32> to vector<10112x128xf32>
    %mul3A_60 = arith.mulf %div3A_55, %mul3A_59 : vector<10112x128xf32>
    %get3A_61 = arith.constant 0 : index
    %get3A_62 = arith.constant 0 : index
    %get3A_63 = vector.load %arg12[%get3A_61, %get3A_62] : memref<1x128xf32, #tpu.memory_space<vmem>>, vector<1x128xf32>
    %add3A_64 = vector.broadcast %get3A_63 : vector<1x128xf32> to vector<10112x128xf32>
    %add3A_65 = arith.addf %mul3A_60, %add3A_64 : vector<10112x128xf32>
    %get3A_66 = arith.constant 0 : index
    %get3A_67 = arith.constant 0 : index
    %get3A_68 = vector.load %arg3[%get3A_66, %get3A_67] : memref<1x10112xi32, #tpu.memory_space<vmem>>, vector<1x10112xi32>
    %iota3A_69 = tpu.iota {dimensions = array<i32: 0>} : vector<64x10112xi32>
    %eq3A = vector.broadcast %get3A_68 : vector<1x10112xi32> to vector<64x10112xi32>
    %eq3A_70 = arith.cmpi eq, %iota3A_69, %eq3A : vector<64x10112xi32>
    %convert_element_type3A_71 = arith.extui %eq3A_70 : vector<64x10112xi1> to vector<64x10112xi32>
    %convert_element_type3A_72 = arith.sitofp %convert_element_type3A_71 : vector<64x10112xi32> to vector<64x10112xf32>
    %dot_general3A_73 = arith.constant dense<0.000000e+00> : vector<64x128xf32>
    %dot_general3A_74 = tpu.matmul %convert_element_type3A_72, %add3A_65, %dot_general3A_73 {dimension_numbers = #tpu.dot_dimension_numbers<[1], [0], [0], [1], [0, 0, 1, 1], [], []>, transpose_lhs_hint = false} : vector<64x10112xf32>, vector<10112x128xf32>, vector<64x128xf32> -> vector<64x128xf32>
    %reduce_sum3A_75 = arith.constant dense<0.000000e+00> : vector<64xf32>
    %reduce_sum3A_76 = vector.multi_reduction <add>, %convert_element_type3A_72, %reduce_sum3A_75 [1] : vector<64x10112xf32> to vector<64xf32>
    %broadcast_in_dim3A_77 = vector.shape_cast %reduce_sum3A_76 : vector<64xf32> to vector<64x1xf32>
    %max3A = arith.constant 1.000000e+00 : f32
    %max3A_78 = vector.broadcast %max3A : f32 to vector<64x1xf32>
    %max3A_79 = arith.maximumf %broadcast_in_dim3A_77, %max3A_78 : vector<64x1xf32>
    %div3A_80 = vector.broadcast %max3A_79 : vector<64x1xf32> to vector<64x128xf32>
    %div3A_81 = arith.divf %dot_general3A_74, %div3A_80 : vector<64x128xf32>
    %swap3A = arith.constant 0 : index
    %swap3A_82 = arith.constant 0 : index
    %swap3A_83 = vector.load %arg13[%swap3A, %swap3A_82] : memref<64x256xf32, #tpu.memory_space<vmem>>, vector<64x128xf32>
    tpu.vector_store %arg13[%swap3A, %swap3A_82], %div3A_81 {strides = array<i32>} : memref<64x256xf32, #tpu.memory_space<vmem>>, vector<64x128xf32>,
    %reshape3A = vector.shape_cast %add3A_65 : vector<10112x128xf32> to vector<1264x8x128xf32>
    %reduce_max3A = arith.constant dense<0xFF800000> : vector<1264x128xf32>
    %reduce_max3A_84 = vector.multi_reduction <maximumf>, %reshape3A, %reduce_max3A [1] : vector<1264x8x128xf32> to vector<1264x128xf32>
    %get3A_85 = arith.constant 0 : index
    %get3A_86 = arith.constant 0 : index
    %get3A_87 = vector.load %arg6[%get3A_85, %get3A_86] : memref<1264x1xi32, #tpu.memory_space<vmem>>, vector<1264x1xi32>
    %get3A_88 = arith.constant 0 : index
    %get3A_89 = arith.constant 0 : index
    %get3A_90 = vector.load %arg7[%get3A_88, %get3A_89] : memref<1264x1xi32, #tpu.memory_space<vmem>>, vector<1264x1xi32>
    %iota3A_91 = tpu.iota {dimensions = array<i32: 0>} : vector<512x10112xi32>
    %get3A_92 = arith.constant 0 : index
    %get3A_93 = arith.constant 0 : index
    %get3A_94 = vector.load %arg5[%get3A_92, %get3A_93] : memref<1x10112xi32, #tpu.memory_space<vmem>>, vector<1x10112xi32>
    %eq3A_95 = vector.broadcast %get3A_94 : vector<1x10112xi32> to vector<512x10112xi32>
    %eq3A_96 = arith.cmpi eq, %iota3A_91, %eq3A_95 : vector<512x10112xi32>
    %convert_element_type3A_97 = arith.extui %eq3A_96 : vector<512x10112xi1> to vector<512x10112xi32>
    %convert_element_type3A_98 = arith.sitofp %convert_element_type3A_97 : vector<512x10112xi32> to vector<512x10112xf32>
    %dot_general3A_99 = arith.constant dense<0.000000e+00> : vector<512x128xf32>
    %dot_general3A_100 = tpu.matmul %convert_element_type3A_98, %add3A_65, %dot_general3A_99 {dimension_numbers = #tpu.dot_dimension_numbers<[1], [0], [0], [1], [0, 0, 1, 1], [], []>, transpose_lhs_hint = false} : vector<512x10112xf32>, vector<10112x128xf32>, vector<512x128xf32> -> vector<512x128xf32>
    %broadcast_in_dim3A_101 = arith.constant 1.000000e+00 : f32
    %broadcast_in_dim3A_102 = vector.broadcast %broadcast_in_dim3A_101 : f32 to vector<10112x1xf32>
    %dot_general3A_103 = arith.constant dense<0.000000e+00> : vector<512x1xf32>
    %dot_general3A_104 = tpu.matmul %convert_element_type3A_98, %broadcast_in_dim3A_102, %dot_general3A_103 {dimension_numbers = #tpu.dot_dimension_numbers<[1], [0], [0], [1], [0, 0, 1, 1], [], []>, transpose_lhs_hint = false} : vector<512x10112xf32>, vector<10112x1xf32>, vector<512x1xf32> -> vector<512x1xf32>
    %get3A_105 = arith.constant 0 : index
    %get3A_106 = arith.constant 0 : index
    %get3A_107 = vector.load %arg4[%get3A_105, %get3A_106] : memref<10112x1xf32, #tpu.memory_space<vmem>>, vector<10112x1xf32>
    %dot_general3A_108 = arith.constant dense<0.000000e+00> : vector<512x1xf32>
    %dot_general3A_109 = tpu.matmul %convert_element_type3A_98, %get3A_107, %dot_general3A_108 {dimension_numbers = #tpu.dot_dimension_numbers<[1], [0], [0], [1], [0, 0, 1, 1], [], []>, transpose_lhs_hint = false} : vector<512x10112xf32>, vector<10112x1xf32>, vector<512x1xf32> -> vector<512x1xf32>
    %sub3A_110 = arith.constant 1.000000e+00 : f32
    %sub3A_111 = vector.broadcast %sub3A_110 : f32 to vector<512x1xf32>
    %sub3A_112 = arith.subf %sub3A_111, %dot_general3A_104 : vector<512x1xf32>
    %mul3A_113 = arith.constant 6.400000e+01 : f32
    %mul3A_114 = vector.broadcast %mul3A_113 : f32 to vector<512x1xf32>
    %mul3A_115 = arith.mulf %sub3A_112, %mul3A_114 : vector<512x1xf32>
    %add3A_116 = arith.addf %dot_general3A_109, %mul3A_115 : vector<512x1xf32>
    %iota3A_117 = tpu.iota {dimensions = array<i32: 0>} : vector<64x1xi32>
    %broadcast_in_dim3A_118 = arith.constant 0xFF800000 : f32
    %broadcast_in_dim3A_119 = vector.broadcast %broadcast_in_dim3A_118 : f32 to vector<64x128xf32>
    %scan3A = arith.constant 0xFF800000 : f32
    %scan3A_120 = arith.constant 0 : i32
    %scan3A_121 = arith.constant 64 : i32
    %scan3A_122 = arith.addi %scan3A_120, %scan3A_121 : i32
    %scan3A_123 = arith.constant 1 : i32
    %scan3A_124 = scf.for %scan3A_134 = %scan3A_120 to %scan3A_122 step %scan3A_123 iter_args(%scan3A_135 = %broadcast_in_dim3A_119) -> (vector<64x128xf32>)  : i32 {
      %eq3A_136 = vector.broadcast %scan3A_134 : i32 to vector<1264x1xi32>
      %eq3A_137 = arith.cmpi eq, %get3A_87, %eq3A_136 : vector<1264x1xi32>
      %eq3A_138 = vector.broadcast %scan3A_134 : i32 to vector<1264x1xi32>
      %eq3A_139 = arith.cmpi eq, %get3A_90, %eq3A_138 : vector<1264x1xi32>
      %and3A = arith.andi %eq3A_137, %eq3A_139 : vector<1264x1xi1>
      %broadcast_in_dim3A_140 = vector.shape_cast %and3A : vector<1264x1xi1> to vector<1264x1xi1>
      %broadcast_in_dim3A_141 = vector.broadcast %broadcast_in_dim3A_140 : vector<1264x1xi1> to vector<1264x128xi1>
      %broadcast_in_dim3A_142 = vector.broadcast %scan3A : f32 to vector<1264x128xf32>
      %select_n3A_143 = arith.select %broadcast_in_dim3A_141, %reduce_max3A_84, %broadcast_in_dim3A_142 : vector<1264x128xi1>, vector<1264x128xf32>
      %reduce_max3A_144 = arith.constant dense<0xFF800000> : vector<128xf32>
      %reduce_max3A_145 = vector.multi_reduction <maximumf>, %select_n3A_143, %reduce_max3A_144 [0] : vector<1264x128xf32> to vector<128xf32>
      %broadcast_in_dim3A_146 = vector.shape_cast %reduce_max3A_145 : vector<128xf32> to vector<1x128xf32>
      %convert_element_type3A_147 = arith.sitofp %scan3A_134 : i32 to f32
      %eq3A_148 = vector.broadcast %convert_element_type3A_147 : f32 to vector<512x1xf32>
      %eq3A_149 = arith.cmpf oeq, %add3A_116, %eq3A_148 : vector<512x1xf32>
      %broadcast_in_dim3A_150 = vector.shape_cast %eq3A_149 : vector<512x1xi1> to vector<512x1xi1>
      %broadcast_in_dim3A_151 = vector.broadcast %broadcast_in_dim3A_150 : vector<512x1xi1> to vector<512x128xi1>
      %broadcast_in_dim3A_152 = vector.broadcast %scan3A : f32 to vector<512x128xf32>
      %select_n3A_153 = arith.select %broadcast_in_dim3A_151, %dot_general3A_100, %broadcast_in_dim3A_152 : vector<512x128xi1>, vector<512x128xf32>
      %reduce_max3A_154 = arith.constant dense<0xFF800000> : vector<128xf32>
      %reduce_max3A_155 = vector.multi_reduction <maximumf>, %select_n3A_153, %reduce_max3A_154 [0] : vector<512x128xf32> to vector<128xf32>
      %broadcast_in_dim3A_156 = vector.shape_cast %reduce_max3A_155 : vector<128xf32> to vector<1x128xf32>
      %eq3A_157 = vector.broadcast %scan3A_134 : i32 to vector<64x1xi32>
      %eq3A_158 = arith.cmpi eq, %iota3A_117, %eq3A_157 : vector<64x1xi32>
      %max3A_159 = arith.maximumf %broadcast_in_dim3A_146, %broadcast_in_dim3A_156 : vector<1x128xf32>
      %broadcast_in_dim3A_160 = vector.shape_cast %eq3A_158 : vector<64x1xi1> to vector<64x1xi1>
      %broadcast_in_dim3A_161 = vector.broadcast %broadcast_in_dim3A_160 : vector<64x1xi1> to vector<64x128xi1>
      %broadcast_in_dim3A_162 = vector.shape_cast %max3A_159 : vector<1x128xf32> to vector<1x128xf32>
      %broadcast_in_dim3A_163 = vector.broadcast %broadcast_in_dim3A_162 : vector<1x128xf32> to vector<64x128xf32>
      %select_n3A_164 = arith.select %broadcast_in_dim3A_161, %broadcast_in_dim3A_163, %scan3A_135 : vector<64x128xi1>, vector<64x128xf32>
      scf.yield %select_n3A_164 : vector<64x128xf32>
    }
    %scan3A_125 = arith.constant 64 : i32
    %gt3A = arith.constant 0.000000e+00 : f32
    %gt3A_126 = vector.broadcast %gt3A : f32 to vector<64x1xf32>
    %gt3A_127 = arith.cmpf ogt, %broadcast_in_dim3A_77, %gt3A_126 : vector<64x1xf32>
    %jit3A = arith.constant 0.000000e+00 : f32
    %broadcast_in_dim3A_128 = vector.shape_cast %gt3A_127 : vector<64x1xi1> to vector<64x1xi1>
    %broadcast_in_dim3A_129 = vector.broadcast %broadcast_in_dim3A_128 : vector<64x1xi1> to vector<64x128xi1>
    %broadcast_in_dim3A_130 = vector.broadcast %jit3A : f32 to vector<64x128xf32>
    %select_n3A = arith.select %broadcast_in_dim3A_129, %scan3A_124, %broadcast_in_dim3A_130 : vector<64x128xi1>, vector<64x128xf32>
    %swap3A_131 = arith.constant 0 : index
    %swap3A_132 = arith.constant 128 : index
    %swap3A_133 = vector.load %arg13[%swap3A_131, %swap3A_132] : memref<64x256xf32, #tpu.memory_space<vmem>>, vector<64x128xf32>
    tpu.vector_store %arg13[%swap3A_131, %swap3A_132], %select_n3A {strides = array<i32>} : memref<64x256xf32, #tpu.memory_space<vmem>>, vector<64x128xf32>,
    return
  }
}

</mosaic_0001>

<sc_bundles>
// kernel: kernel.6.cloned.1.call-start
scs
__scs_entry_jumppad:
0x0: {  	(pc) =	sbr.rel $0x88, $3  }
0x1: {  	(tag) =	ssettag $0x0;
	lr =	simm.s32 $0x1  }
0x2: {  	[smem:$0x3F91] =	sst lr;
	_ =	strace $0xD0000000  }
0x3: {  	_ = 	snop  }
0x4: {  	_ = 	snop  }
0x5: {  	_ = 	snop  }
0x6: {  	_ = 	snop  }
0x7: {  	_ = 	snop  }
__scs_overlays_trampoline_lowered:
0x8: {  	[smem:$0x3FA0] =	sst s0  }
0x9: {  	[smem:$0x3FA1] =	sst s1  }
0xa: {  	[smem:$0x3FA2] =	sst s2  }
0xb: {  	[smem:$0x3FA3] =	sst s3  }
0xc: {  	[smem:$0x3FA4] =	sst s4  }
0xd: {  	[smem:$0x3FA5] =	sst s5  }
0xe: {  	[smem:$0x3FA6] =	sst s6  }
0xf: {  	[smem:$0x3FA7] =	sst s7  }
0x10: {  	[smem:$0x3FA8] =	sst s8  }
0x11: {  	[smem:$0x3FA9] =	sst s9;
	s0 =	simm.s32 @!p0 $0x0  }
0x12: {  	s1 =	sld [smem:$0x3F8F];
	s0 =	simm.s32 @p0 $0x1  }
0x13: {  	[smem:$0x3FAA] =	sst s0;
	s0 =	simm.s32 @!p1 $0x0  }
0x14: {  	s2 =	sld [smem:$0x3F8E];
	s0 =	simm.s32 @p1 $0x1  }
0x15: {  	[smem:$0x3FAB] =	sst s0;
	s0 =	simm.s32 @!p2 $0x0  }
0x16: {  	s3 =	sld [smem:$0x3FDB];
	s0 =	simm.s32 @p2 $0x1  }
0x17: {  	s4 =	simm.s32 $0x1BF5;
	[smem:$0x3FAD] =	sst s0  }
0x18: {  	s0 =	sld [smem:$0x3F90];
	_ =	swait.ge [sflag:s4], $0x0  }
0x19: {  	s7 =	sld [smem:$0x3F91]  }
0x1a: {  	s8 =	sadd.s32 $0xFFFFE003, lr  }
0x1b: {  	s9 =	sadd.s32 $0xFFFFFEF7, lr;
	s5 =	simm.s32 $0xFFFFFFFF;
	p2 =	slt.u32 s8, $0xFFFFF086  }
0x1c: {  	p1 =	slt.u32 s9, $0xF7A;
	s5 =	simm.s32 @!p2 $0x0  }
0x1d: {  	s5 =	simm.s32 @p1 $0x1;
	p0 =	seq.s32 s7, s2  }
0x1e: {  	s7 =	smul.u32 @!p0 $0xF7A, s2;
	p2 =	seq.s32 @!p0 s5, $0x0  }
0x1f: {  	s9 =	smul.u32 $0xF7A, s1;
	s8 =	simm.s32 @!p0 $0x1BF5;
	p2 =	por !p2, p0  }
0x20: {  	[sflag:s8] =	ssyncset.s32 @!p0 $0xFFFFF086;
	s6 =	sadd.s32 @!p0 s3, s7;
	s7 =	simm.s32 @!p0 $0x108  }
0x21: {  	s3 =	sadd.s32 s3, s9;
	s6 =	sadd.s32 @!p0 $0x88, s6;
	s7 =	simm.s32 @p2 $0x1082  }
0x22: {  	[simem:s7], [sflag:s8] =	dma.local @!p0 [hbm:s6], $0xF7A  }
0x23: {  	s9 =	sor.u32 $0xD0000000, s2;
	s6 =	simm.s32 $0x108;
	_ =	swait.ge @!p0 [sflag:s8], $0x0  }
0x24: {  	s3 =	sadd.s32 $0x88, s3;
	s6 =	simm.s32 @!p1 $0x1082;
	[sflag:s4] =	ssyncset.s32 $0xFFFFF086  }
0x25: {  	[simem:s6], [sflag:s4] =	dma.local [hbm:s3], $0xF7A  }
0x26: {  	[smem:$0x3F91] =	sst s1;
	(tag) =	ssettag s2;
	_ =	strace s9  }
0x27: {  	s1 =	sld [smem:$0x3FA1]  }
0x28: {  	s2 =	sld [smem:$0x3FA2]  }
0x29: {  	s4 =	sld [smem:$0x3FA4]  }
0x2a: {  	p0 =	seq.s32 s5, $0x0;
	s5 =	sld [smem:$0x3FA5]  }
0x2b: {  	s6 =	sld [smem:$0x3FA6]  }
0x2c: {  	s7 =	sld [smem:$0x3FA7]  }
0x2d: {  	s3 =	simm.s32 $0x108;
	s8 =	sld [smem:$0x3FA8]  }
0x2e: {  	s3 =	simm.s32 @!p0 $0x1082;
	s9 =	sld [smem:$0x3FA9]  }
0x2f: {  	lr =	sadd.s32 s0, s3;
	s0 =	sld [smem:$0x3FA0]  }
0x30: {  	s3 =	sld [smem:$0x3FA3]  }
0x31: {  	[smem:$0x3FAC] =	sst s10  }
0x32: {  	s10 =	sld [smem:$0x3FAA];
	_ =	sdelay $0x3  }
0x33: {  	p0 =	seq.s32 s10, $0x1;
	s10 =	sld [smem:$0x3FAC];
	_ =	sdelay $0x3  }
0x34: {  	[smem:$0x3FAC] =	sst s10  }
0x35: {  	s10 =	sld [smem:$0x3FAB];
	_ =	sdelay $0x3  }
0x36: {  	p1 =	seq.s32 s10, $0x1;
	s10 =	sld [smem:$0x3FAC];
	_ =	sdelay $0x3  }
0x37: {  	[smem:$0x3FAC] =	sst s10  }
0x38: {  	s10 =	sld [smem:$0x3FAD]  }
0x39: {  	_ = 	snop;
	(pc) =	sbr.ind lr, $3  }
0x3a: {  	_ = 	snop  }
0x3b: {  	_ = 	snop  }
0x3c: {  	p2 =	seq.s32 s10, $0x1;
	s10 =	sld [smem:$0x3FAC]  }
0x3d: {  	_ =	shalt  }
0x3e: {  	_ =	shalt  }
0x3f: {  	_ =	shalt  }
0x40: {  	_ =	shalt  }
0x41: {  	_ =	shalt  }
0x42: {  	_ =	shalt  }
0x43: {  	_ =	shalt  }
0x44: {  	_ =	shalt  }
0x45: {  	_ =	shalt  }
0x46: {  	_ =	shalt  }
0x47: {  	_ =	shalt  }
0x48: {  	_ =	shalt  }
0x49: {  	_ =	shalt  }
0x4a: {  	_ =	shalt  }
0x4b: {  	_ =	shalt  }
0x4c: {  	_ =	shalt  }
0x4d: {  	_ =	shalt  }
0x4e: {  	_ =	shalt  }
0x4f: {  	_ =	shalt  }
0x50: {  	_ =	shalt  }
0x51: {  	_ =	shalt  }
0x52: {  	_ =	shalt  }
0x53: {  	_ =	shalt  }
0x54: {  	_ =	shalt  }
0x55: {  	_ =	shalt  }
0x56: {  	_ =	shalt  }
0x57: {  	_ =	shalt  }
0x58: {  	_ =	shalt  }
0x59: {  	_ =	shalt  }
0x5a: {  	_ =	shalt  }
0x5b: {  	_ =	shalt  }
0x5c: {  	_ =	shalt  }
0x5d: {  	_ =	shalt  }
0x5e: {  	_ =	shalt  }
0x5f: {  	_ =	shalt  }
0x60: {  	_ =	shalt  }
0x61: {  	_ =	shalt  }
0x62: {  	_ =	shalt  }
0x63: {  	_ =	shalt  }
0x64: {  	_ =	shalt  }
0x65: {  	_ =	shalt  }
0x66: {  	_ =	shalt  }
0x67: {  	_ =	shalt  }
0x68: {  	_ =	shalt  }
0x69: {  	_ =	shalt  }
0x6a: {  	_ =	shalt  }
0x6b: {  	_ =	shalt  }
0x6c: {  	_ =	shalt  }
0x6d: {  	_ =	shalt  }
0x6e: {  	_ =	shalt  }
0x6f: {  	_ =	shalt  }
0x70: {  	_ =	shalt  }
0x71: {  	_ =	shalt  }
0x72: {  	_ =	shalt  }
0x73: {  	_ =	shalt  }
0x74: {  	_ =	shalt  }
0x75: {  	_ =	shalt  }
0x76: {  	_ =	shalt  }
0x77: {  	_ =	shalt  }
0x78: {  	_ =	shalt  }
0x79: {  	_ =	shalt  }
0x7a: {  	_ =	shalt  }
0x7b: {  	_ =	shalt  }
0x7c: {  	_ =	shalt  }
0x7d: {  	_ =	shalt  }
0x7e: {  	_ =	shalt  }
0x7f: {  	_ =	shalt  }
0x80: {  	_ =	shalt  }
0x81: {  	_ =	shalt  }
0x82: {  	_ =	shalt  }
0x83: {  	_ =	shalt  }
0x84: {  	_ =	shalt  }
0x85: {  	_ =	shalt  }
0x86: {  	_ =	shalt  }
0x87: {  	_ =	shalt  }
.Lfunc_end0:
.L_simem_size_0:
called_computation_lowered:
.L_overlay_start_0:
0x88: {  	s2 =	sld [smem:$0x3FD9]  }
0x89: {  	s3 =	sld [smem:$0x3FFE];
	_ =	sdelay $0x1  }
0x8a: {  	s1 =	srdreg.scid  }
0x8b: {  	s0 =	sand.u32 $0x1, s1  }
0x8c: {  	s17 =	sshll.u32 s0, $0xA;
	s2 =	sadd.s32 s3, s2  }
0x8d: {  	s2 =	sadd.s32 s2, s17  }
0x8e: {  	[smem:$0x3FB8] =	sst s2  }
0x8f: {  	_ = 	snop  }
0x90: {  	s2 =	sld [smem:$0x3FD0];
	(tm) =	ssettm $0x1  }
0x91: {  	s18 =	sld [smem:$0x3FFB];
	_ =	sdelay $0x3  }
0x92: {  	_ =	strace s18  }
0x93: {  	s3 =	sld [smem:$0x3FFC];
	_ =	sdelay $0x3  }
0x94: {  	_ =	strace s3  }
0x95: {  	s3 =	sld [smem:$0x3FFD];
	_ =	sdelay $0x3  }
0x96: {  	_ =	strace s3  }
0x97: {  	_ =	strace $0x8FFFFFFF  }
0x98: {  	s19 =	sld [smem:$0x3FDB];
	_ =	sdelay $0x1  }
0x99: {  	s4 =	simm.s32 $_scs_section_size  }
0x9a: {  	s5 =	simm.s32 $_size__tile_overlayer_lowered;
	s6 =	simm.s32 $_tile_overlayer_lowered  }
0x9b: {  	s22 =	simm.s32 $0x1BFF;
	s21 =	sshll.u32 s6, $0x1;
	s3 =	sadd.s32 s4, s19  }
0x9c: {  	s7 =	simm.s32 $0x0;
	s20 =	sshll.u32 s5, $0x1;
	s5 =	sadd.s32 s21, s3  }
0x9d: {  	[timem:s7], [sflag:s22] =	dma.local [hbm:s5], s20  }
0x9e: {  	_ =	swait.ge [sflag:s22], s20  }
0x9f: {  	s4 =	ssub.s32 $0x0, s20;
	[sflag:s22] =	ssyncset.done $0x0  }
0xa0: {  	[sflag:s22] =	ssyncadd.s32 s4;
	_ =	sdelay $0x1  }
0xa1: {  	s23 =	simm.s32 $0x1B8B  }
0xa2: {  	_ =	swait.ge [sflag:s23], $0x1  }
0xa3: {  	[sflag:s23] =	ssyncset.done $0x0  }
0xa4: {  	s25 =	simm.s32 $0x1B8E;
	s24 =	sld [smem:$0x3FFE];
	[sflag:s23] =	ssyncadd.s32 $0xFFFFFFFF  }
0xa5: {  	s26 =	simm.s32 $execute0_lowered;
	[smem:$0x3FD2] =	sst s25  }
0xa6: {  	s5 =	sshll.u32 s26, $0x1;
	_ =	strace $0x80000046;
	[dreg:$0x1] =	wrdreg $0xFFFFFFFF  }
0xa7: {  	s28 =	simm.s32 $_size_execute0_lowered;
	s3 =	sadd.s32 s3, s5;
	[dreg:$0x0] =	wrdreg $0x0  }
0xa8: {  	s5 =	sshll.u32 s28, $0x1;
	[dreg:$0x2] =	wrdreg s3  }
0xa9: {  	[dreg:$0x3] =	wrdreg s5  }
0xaa: {  	[dreg:$0x4] =	wrdreg $0xC0  }
0xab: {  	_ =	task [dreg:s7], $0x5FFFF  }
0xac: {  	[dreg:$0x1] =	wrdreg $0xFFFFFFFF  }
0xad: {  	[dreg:$0x0] =	wrdreg $0x60  }
0xae: {  	[dreg:$0x2] =	wrdreg s24  }
0xaf: {  	[dreg:$0x3] =	wrdreg s2  }
0xb0: {  	[dreg:$0x4] =	wrdreg $0x1E000  }
0xb1: {  	[dreg:$0x5] =	wrdreg $0x9  }
0xb2: {  	_ =	task.clear_ibuf [dreg:s7], $0x6FFFF;
	_ =	strace $0x90000046  }
0xb3: {  	s29 =	simm.s32 $0x9;
	_ =	strace $0x80000048  }
0xb4: {  	_ =	swait.ge [sflag:s29], $0x1  }
0xb5: {  	[sflag:s29] =	ssyncadd.s32 $0xFFFFFFFF  }
0xb6: {  	_ =	strace $0x90000048  }
0xb7: {  	_ =	sfence  }
0xb8: {  	s30 =	sld [smem:$0x0];
	_ =	sdelay $0x2  }
0xb9: {  	s31 =	sshll.u32 s1, $0xD;
	s1 =	sshrl.u32 s1, $0x2  }
0xba: {  	s3 =	sand.u32 $0x4000, s31;
	s1 =	sadd.s32 s1, s30  }
0xbb: {  	s0 =	sor.u32 s3, s0;
	s1 =	sshll.u32 s1, $0x11  }
0xbc: {  	s0 =	sor.u32 s1, s0  }
0xbd: {  	s0 =	sadd.s32 $0x8F2B, s0  }
0xbe: {  	[sflag:s0] =	ssyncadd.remote.s32 $0x1  }
0xbf: {  	_ =	sfence.sel $0xFFFF  }
0xc0: {  	[dreg:$0x0] =	wrdreg $0xFFFFFFFF;
	(pc) =	sbr.abs _section_cstart, $3  }
0xc1: {  	[dreg:$0x1] =	wrdreg $0xFFFFFFFF  }
0xc2: {  	_ =	task.clear_ibuf [dreg:s7], $0x2FFFF;
	_ =	strace $0x9FFFFFFF  }
0xc3: {  	(tm) =	ssettm $0x7FFFFFFF  }
tec
execute0_lowered:
.L_overlay_start_1:
0x0: {  	(tag) =	ssettag $0x1  }
0x1: {  	s0 =	rddreg [dreg:$0x0]  }
0x2: {  	s3 =	rddreg [dreg:$0x2]  }
0x3: {  	s4 =	simm.s32 $0x0;
	s1 =	srdreg.scid;
	s10 =	stileid.u32  }
0x4: {  	s30 =	simm.s32 $0x400;
	s29 =	simm.s32 $0xB;
	s28 =	simm.s32 $0x280  }
0x5: {  	[smem:$0x7FF] =	sst s4;
	s1 =	sand.u32 $0x1, s1;
	s2 =	smul.u32 $0x13C0, s10  }
0x6: {  	s5 =	sadd.s32 $0x1A00, s0;
	s11 =	sadd.s32 $0xEA00, s0;
	s12 =	sadd.s32 $0x4200, s0  }
0x7: {  	s8 =	sshll.u32 s10, $0x1;
	s23 =	sshll.u32 s10, $0x6;
	s24 =	smul.u32 $0x5400, s10  }
0x8: {  	_ =	strace $0x80000047;
	s6 =	smul.u32 $0x13C00, s1;
	s7 =	ssub.s32 $0x2, s1  }
0x9: {  	s8 =	sor.u32 s1, s8;
	s13 =	sor.u32 $0x1C13, s23;
	[dreg:$0x5] =	wrdreg s12  }
0xa: {  	s1 =	smul.u32 $0x2A00, s1;
	[dreg:$0x4] =	wrdreg s11;
	s9 =	sshrl.u32 s7, $0x1  }
0xb: {  	s22 =	smul.u32 $0x2A00, s8;
	s8 =	simm.s32 $0xF;
	[dreg:$0x7] =	wrdreg s13  }
0xc: {  	s6 =	sadd.s32 s2, s6;
	s21 =	ssub.s32 s7, s9;
	s2 =	sadd.s32 s2, s3  }
0xd: {  	s1 =	sadd.s32 s1, s24;
	s9 =	simm.s32 $0x0;
	s6 =	sshrl.u32 s6, $0x3  }
0xe: {  	[dreg:$0x6] =	wrdreg s2;
	s25 =	sshrl.u32 s22, $0x3;
	s15 =	sadd.s32 $0x400, s1  }
0xf: {  	s17 =	smax.u32 s21, $0x1;
	s19 =	sadd.s32 $0x380, s1;
	s21 =	sadd.s32 $0x280, s1  }
0x10: {  	s24 =	sadd.s32 $0x200, s1;
	s0 =	sadd.s32 s6, s0;
	s7 =	sadd.s32 s11, s25  }
0x11: {  	s26 =	sadd.s32 s12, s25;
	s31 =	sor.u32 $0x10, s25;
	s2 =	sor.u32 $0x20, s25  }
0x12: {  	s16 =	sshrl.u32 s15, $0x3;
	[dreg:$0xf] =	wrdreg s17;
	s20 =	sshrl.u32 s19, $0x3  }
0x13: {  	s23 =	sshrl.u32 s21, $0x3;
	s25 =	sadd.s32 $0x300, s1;
	[dreg:$0x8] =	wrdreg s7  }
0x14: {  	s1 =	sor.u32 $0x180, s1;
	s15 =	simm.s32 $0x13;
	[dreg:$0x9] =	wrdreg s26  }
0x15: {  	s19 =	simm.s32 $0xA00;
	s10 =	sadd.s32 s11, s31;
	[dreg:$0x16] =	wrdreg s25  }
0x16: {  	s17 =	simm.s32 $0x3;
	s7 =	sadd.s32 s12, s31;
	[dreg:$0xa] =	wrdreg s10  }
0x17: {  	s6 =	simm.s32 $0x4;
	s14 =	sadd.s32 s11, s2;
	[dreg:$0xb] =	wrdreg s7  }
0x18: {  	s21 =	simm.s32 $0x5;
	s2 =	sadd.s32 s12, s2;
	[dreg:$0xc] =	wrdreg s14  }
0x19: {  	s0 =	sadd.s32 $0x19200, s0;
	s18 =	sadd.s32 s16, s12;
	[dreg:$0xd] =	wrdreg s2  }
0x1a: {  	s22 =	sadd.s32 s20, s12;
	s31 =	sshrl.u32 s1, $0x3;
	[dreg:$0xe] =	wrdreg s0  }
0x1b: {  	s25 =	simm.s32 $0xD;
	[dreg:$0x10] =	wrdreg s18;
	s0 =	sadd.s32 s16, s11  }
0x1c: {  	[dreg:$0x12] =	wrdreg s22;
	s2 =	sadd.s32 s23, s12;
	s1 =	sadd.s32 s31, s12  }
0x1d: {  	s16 =	simm.s32 $0x380;
	s10 =	simm.s32 $0x1;
	[dreg:$0x11] =	wrdreg s0  }
0x1e: {  	s7 =	simm.s32 $0x600;
	s18 =	simm.s32 $0x9;
	[dreg:$0x14] =	wrdreg s2  }
0x1f: {  	s22 =	simm.s32 $0x500;
	s0 =	sadd.s32 s20, s11;
	[dreg:$0x19] =	wrdreg s1  }
0x20: {  	s2 =	simm.s32 $0xE;
	[dreg:$0x13] =	wrdreg s0;
	s0 =	sadd.s32 s23, s11  }
.Ltmp0:
0x21: {  	[dreg:$0x15] =	wrdreg s0;
	s0 =	sshrl.u32 s24, $0x3;
	(pc) =	sbr.rel .LBB2_1-.Ltmp0, $4  }
0x22: {  	s1 =	simm.s32 $0xC;
	s23 =	simm.s32 $0xA;
	s26 =	sadd.s32 s0, s12  }
0x23: {  	s24 =	simm.s32 $0x100;
	s0 =	sadd.s32 s0, s11;
	[dreg:$0x17] =	wrdreg s26  }
0x24: {  	s12 =	simm.s32 $0x2;
	[dreg:$0x18] =	wrdreg s0;
	s0 =	sadd.s32 s31, s11  }
0x25: {  	s26 =	simm.s32 $0x6;
	[dreg:$0x1a] =	wrdreg s0;
	s0 =	simm.s32 $0x80  }
.LBB2_4:
0x26: {  	_ =	swait.ge [sflag:s1], $0x400  }
0x27: {  	[sflag:s1] =	ssyncset.done $0x0  }
0x28: {  	s7 =	simm.s32 $0x580;
	[sflag:s1] =	ssyncadd.s32 $0xFFFFFC00  }
0x29: {  	[spmem:s3] =	stream.indirect.scatter.add.f32 [tilespmem:s9], [sflag:$0x12], $0x8, s7, s0, $0xb8;
	[tilespmem:$0x31C0] =	vst v63  }
0x2a: {  	_ =	swait.ge [sflag:s8], $0x400  }
0x2b: {  	[sflag:s8] =	ssyncset.done $0x0  }
0x2c: {  	s15 =	simm.s32 $0x10;
	[sflag:s8] =	ssyncadd.s32 $0xFFFFFC00  }
0x2d: {  	_ =	swait.ge [sflag:s15], $0x400  }
0x2e: {  	[sflag:s15] =	ssyncset.done $0x0  }
0x2f: {  	s16 =	simm.s32 $0x11;
	[sflag:s15] =	ssyncadd.s32 $0xFFFFFC00  }
0x30: {  	_ =	swait.ge [sflag:s16], $0x400  }
0x31: {  	[sflag:s16] =	ssyncset.done $0x0  }
0x32: {  	s19 =	simm.s32 $0x12;
	[sflag:s16] =	ssyncadd.s32 $0xFFFFFC00  }
0x33: {  	_ =	swait.ge [sflag:s19], $0x400  }
0x34: {  	[sflag:s19] =	ssyncset.done $0x0  }
0x35: {  	[sflag:s19] =	ssyncadd.s32 $0xFFFFFC00  }
0x36: {  	[bflag:$0x0] =	sbarrier.arrive $0xFFFF  }
0x37: {  	s13 =	rddreg [dreg:$0x7]  }
0x38: {  	s11 =	rddreg [dreg:$0xe]  }
0x39: {  	s15 =	simm.s32 $0x13;
	s20 =	rddreg [dreg:$0x1c]  }
0x3a: {  	[hbm:s11], [sflag:s13] =	dma.local [spmem:s20], $0x278  }
0x3b: {  	_ =	swait.ge [sflag:s15], $0x278  }
0x3c: {  	s24 =	rddreg [dreg:$0x1b]  }
0x3d: {  	s31 =	rddreg [dreg:$0xf];
	s9 =	sadd.s32 $0x1, s24  }
0x3e: {  	p0 =	sne.s32 s9, s31  }
.Ltmp1:
0x3f: {  	_ = 	snop;
	(pc) =	sbr.rel @!p0 .LBB2_5-.Ltmp1, $4  }
0x40: {  	_ = 	snop  }
0x41: {  	s30 =	simm.s32 $0x400  }
0x42: {  	s7 =	simm.s32 $0x600;
	s16 =	simm.s32 $0x380;
	[sflag:s15] =	ssyncset.done $0x0  }
0x43: {  	s19 =	simm.s32 $0xA00;
	[sflag:s15] =	ssyncadd.s32 $0xFFFFFD88;
	s24 =	simm.s32 $0x100  }
.LBB2_1:
0x44: {  	[dreg:$0x1b] =	wrdreg s9  }
0x45: {  	s11 =	rddreg [dreg:$0x6]  }
0x46: {  	s14 =	rddreg [dreg:$0x1];
	s11 =	sshrl.u32 s11, $0x3  }
0x47: {  	[dreg:$0x1c] =	wrdreg s11  }
0x48: {  	[spmem:s11], [sflag:s13] =	dma.local [hbm:s14], $0x278  }
0x49: {  	_ =	swait.ge [sflag:s15], $0x278  }
0x4a: {  	[sflag:s15] =	ssyncset.done $0x0  }
0x4b: {  	[sflag:s15] =	ssyncadd.s32 $0xFFFFFD88  }
0x4c: {  	[bflag:$0x0] =	sbarrier.arrive $0xFFFF  }
0x4d: {  	s20 =	rddreg [dreg:$0x8]  }
0x4e: {  	[tilespmem:s4], [sflag:$0x1] =	stream.linear.gather [hbm4b:s20+s4], $0x80, $0x38;
	[tilespmem:$0x31C0] =	vst v63  }
0x4f: {  	s9 =	simm.s32 $0x300;
	s31 =	rddreg [dreg:$0x9]  }
0x50: {  	[tilespmem:s9], [sflag:$0x1] =	stream.linear.gather [hbm4b:s31+s4], $0x80, $0x38;
	[tilespmem:$0x31C0] =	vst v63  }
0x51: {  	s14 =	rddreg [dreg:$0xa]  }
0x52: {  	[tilespmem:s0], [sflag:$0x2] =	stream.linear.gather [hbm4b:s14+s4], $0x80, $0x38;
	[tilespmem:$0x31C0] =	vst v63  }
0x53: {  	s15 =	rddreg [dreg:$0xb]  }
0x54: {  	[tilespmem:s16], [sflag:$0x2] =	stream.linear.gather [hbm4b:s15+s4], $0x80, $0x38;
	[tilespmem:$0x31C0] =	vst v63  }
0x55: {  	s20 =	rddreg [dreg:$0xc]  }
0x56: {  	[tilespmem:s24], [sflag:$0x3] =	stream.linear.gather [hbm4b:s20+s4], $0x80, $0x38;
	[tilespmem:$0x31C0] =	vst v63  }
0x57: {  	s31 =	rddreg [dreg:$0xd]  }
0x58: {  	[tilespmem:s30], [sflag:$0x3] =	stream.linear.gather [hbm4b:s31+s4], $0x80, $0x38;
	[tilespmem:$0x31C0] =	vst v63  }
0x59: {  	_ =	swait.ge [sflag:s10], $0x80  }
0x5a: {  	[sflag:s10] =	ssyncset.done $0x0  }
0x5b: {  	[sflag:s10] =	ssyncadd.s32 $0xFFFFFF80  }
0x5c: {  	_ =	swait.ge [sflag:s10], $0x80  }
0x5d: {  	[sflag:s10] =	ssyncset.done $0x0  }
0x5e: {  	[sflag:s10] =	ssyncadd.s32 $0xFFFFFF80  }
0x5f: {  	[tilespmem:s7], [sflag:$0x7] =	stream.indirect.gather [hbm4b:s5+s0], $0x8, s4, s0, $0xb8;
	[tilespmem:$0x31C0] =	vst v63  }
0x60: {  	_ =	swait.ge [sflag:s12], $0x80  }
0x61: {  	[sflag:s12] =	ssyncset.done $0x0  }
0x62: {  	[sflag:s12] =	ssyncadd.s32 $0xFFFFFF80  }
0x63: {  	_ =	swait.ge [sflag:s12], $0x80  }
0x64: {  	s13 =	simm.s32 $0x0;
	[sflag:s12] =	ssyncset.done $0x0  }
0x65: {  	s9 =	simm.s32 $0x1A00;
	s11 =	rddreg [dreg:$0x16];
	[sflag:s12] =	ssyncadd.s32 $0xFFFFFF80  }
0x66: {  	[tilespmem:s19], [sflag:$0x8] =	stream.indirect.gather [hbm4b:s5+s0], $0x8, s0, s0, $0xb8;
	[tilespmem:$0x31C0] =	vst v63  }
.LBB2_2:
0x67: {  	s15 =	simm.s32 $0x7  }
0x68: {  	_ =	swait.ge [sflag:s15], $0x400  }
0x69: {  	p0 =	seq.s32 s13, $0x0;
	[sflag:s15] =	ssyncset.done $0x0  }
0x6a: {  	s20 =	simm.s32 $0x300;
	[sflag:s15] =	ssyncadd.s32 $0xFFFFFC00;
	s15 =	simm.s32 @!p0 $0x10  }
0x6b: {  	[spmem:s3] =	stream.indirect.scatter.add.f32 [tilespmem:s7], [sflag:$0xD], $0x8, s20, s0, $0xb8;
	[tilespmem:$0x31C0] =	vst v63  }
0x6c: {  	_ =	swait.ge @!p0 [sflag:s15], $0x400  }
0x6d: {  	s7 =	rddreg [dreg:$0x1a]  }
0x6e: {  	[sflag:s15] =	ssyncset.done @!p0 $0x0;
	s14 =	rddreg [dreg:$0x19]  }
0x6f: {  	[sflag:s15] =	ssyncadd.s32 @!p0 $0xFFFFFC00;
	s15 =	sadd.s32 s13, s7;
	s7 =	simm.s32 $0x180  }
0x70: {  	[tilespmem:s7], [sflag:$0x4] =	stream.linear.gather [hbm4b:s15+s4], $0x80, $0x38;
	[tilespmem:$0x31C0] =	vst v63  }
0x71: {  	s20 =	simm.s32 $0x480;
	s15 =	sadd.s32 s13, s14  }
0x72: {  	[tilespmem:s20], [sflag:$0x4] =	stream.linear.gather [hbm4b:s15+s4], $0x80, $0x38;
	[tilespmem:$0x31C0] =	vst v63  }
0x73: {  	_ =	swait.ge [sflag:s17], $0x80  }
0x74: {  	[sflag:s17] =	ssyncset.done $0x0  }
0x75: {  	[sflag:s17] =	ssyncadd.s32 $0xFFFFFF80  }
0x76: {  	_ =	swait.ge [sflag:s17], $0x80  }
0x77: {  	[sflag:s17] =	ssyncset.done $0x0  }
0x78: {  	s31 =	simm.s32 $0xE00;
	s14 =	simm.s32 $0x8;
	[sflag:s17] =	ssyncadd.s32 $0xFFFFFF80  }
0x79: {  	[tilespmem:s31], [sflag:$0x9] =	stream.indirect.gather [hbm4b:s5+s0], $0x8, s24, s0, $0xb8;
	[tilespmem:$0x31C0] =	vst v63  }
0x7a: {  	_ =	swait.ge [sflag:s14], $0x400  }
0x7b: {  	[sflag:s14] =	ssyncset.done $0x0  }
0x7c: {  	s15 =	simm.s32 @!p0 $0x11;
	[sflag:s14] =	ssyncadd.s32 $0xFFFFFC00  }
0x7d: {  	[spmem:s3] =	stream.indirect.scatter.add.f32 [tilespmem:s19], [sflag:$0xE], $0x8, s16, s0, $0xb8;
	[tilespmem:$0x31C0] =	vst v63  }
0x7e: {  	_ =	swait.ge @!p0 [sflag:s15], $0x400  }
0x7f: {  	s16 =	simm.s32 $0x200;
	[sflag:s15] =	ssyncset.done @!p0 $0x0;
	s19 =	rddreg [dreg:$0x18]  }
0x80: {  	s24 =	rddreg [dreg:$0x17];
	[sflag:s15] =	ssyncadd.s32 @!p0 $0xFFFFFC00;
	s15 =	sadd.s32 s13, s19  }
0x81: {  	[tilespmem:s16], [sflag:$0x5] =	stream.linear.gather [hbm4b:s15+s4], $0x80, $0x38;
	[tilespmem:$0x31C0] =	vst v63  }
0x82: {  	s15 =	sadd.s32 s13, s24  }
0x83: {  	[tilespmem:s22], [sflag:$0x5] =	stream.linear.gather [hbm4b:s15+s4], $0x80, $0x38;
	[tilespmem:$0x31C0] =	vst v63  }
0x84: {  	_ =	swait.ge [sflag:s6], $0x80  }
0x85: {  	[sflag:s6] =	ssyncset.done $0x0  }
0x86: {  	[sflag:s6] =	ssyncadd.s32 $0xFFFFFF80  }
0x87: {  	_ =	swait.ge [sflag:s6], $0x80  }
0x88: {  	[sflag:s6] =	ssyncset.done $0x0  }
0x89: {  	s19 =	simm.s32 $0x1200;
	[sflag:s6] =	ssyncadd.s32 $0xFFFFFF80  }
0x8a: {  	[tilespmem:s19], [sflag:$0xA] =	stream.indirect.gather [hbm4b:s5+s0], $0x8, s7, s0, $0xb8;
	[tilespmem:$0x31C0] =	vst v63  }
0x8b: {  	_ =	swait.ge [sflag:s18], $0x400  }
0x8c: {  	[sflag:s18] =	ssyncset.done $0x0  }
0x8d: {  	s15 =	simm.s32 @!p0 $0x12;
	[sflag:s18] =	ssyncadd.s32 $0xFFFFFC00  }
0x8e: {  	[spmem:s3] =	stream.indirect.scatter.add.f32 [tilespmem:s31], [sflag:$0xF], $0x8, s30, s0, $0xb8;
	[tilespmem:$0x31C0] =	vst v63  }
0x8f: {  	_ =	swait.ge @!p0 [sflag:s15], $0x400  }
0x90: {  	[sflag:s15] =	ssyncset.done @!p0 $0x0;
	s7 =	rddreg [dreg:$0x15]  }
0x91: {  	s14 =	rddreg [dreg:$0x14];
	[sflag:s15] =	ssyncadd.s32 @!p0 $0xFFFFFC00;
	s15 =	sadd.s32 s13, s7  }
0x92: {  	[tilespmem:s28], [sflag:$0x6] =	stream.linear.gather [hbm4b:s15+s4], $0x80, $0x38;
	[tilespmem:$0x31C0] =	vst v63  }
0x93: {  	s24 =	simm.s32 $0x580;
	s15 =	sadd.s32 s13, s14  }
0x94: {  	[tilespmem:s24], [sflag:$0x6] =	stream.linear.gather [hbm4b:s15+s4], $0x80, $0x38;
	[tilespmem:$0x31C0] =	vst v63  }
0x95: {  	_ =	swait.ge [sflag:s21], $0x80  }
0x96: {  	[sflag:s21] =	ssyncset.done $0x0  }
0x97: {  	[sflag:s21] =	ssyncadd.s32 $0xFFFFFF80  }
0x98: {  	_ =	swait.ge [sflag:s21], $0x80  }
0x99: {  	[sflag:s21] =	ssyncset.done $0x0  }
0x9a: {  	s14 =	simm.s32 $0x1600;
	[sflag:s21] =	ssyncadd.s32 $0xFFFFFF80  }
0x9b: {  	[tilespmem:s14], [sflag:$0xB] =	stream.indirect.gather [hbm4b:s5+s0], $0x8, s16, s0, $0xb8;
	[tilespmem:$0x31C0] =	vst v63  }
0x9c: {  	_ =	swait.ge [sflag:s23], $0x400  }
0x9d: {  	[sflag:s23] =	ssyncset.done $0x0  }
0x9e: {  	[sflag:s23] =	ssyncadd.s32 $0xFFFFFC00  }
0x9f: {  	[spmem:s3] =	stream.indirect.scatter.add.f32 [tilespmem:s19], [sflag:$0x10], $0x8, s20, s0, $0xb8;
	[tilespmem:$0x31C0] =	vst v63  }
0xa0: {  	p0 =	seq.s32 s13, $0x4E0;
	_ =	swait.ge [sflag:s25], $0x400  }
0xa1: {  	s15 =	sshrl.u32 @!p0 s11, $0x3;
	[sflag:s25] =	ssyncset.done $0x0;
	s16 =	rddreg [dreg:$0x4]  }
0xa2: {  	s24 =	simm.s32 @!p0 $0x0;
	[sflag:s25] =	ssyncadd.s32 $0xFFFFFC00;
	s16 =	sadd.s32 @!p0 s16, s15  }
0xa3: {  	[tilespmem:s24], [sflag:$0x1] =	stream.linear.gather @!p0 [hbm4b:s16+s24], $0x80, $0x38;
	[tilespmem:$0x31C0] =	vst v63  }
0xa4: {  	s16 =	rddreg [dreg:$0x5]  }
0xa5: {  	s15 =	sadd.s32 @!p0 s16, s15;
	s16 =	simm.s32 @!p0 $0x300  }
0xa6: {  	[tilespmem:s16], [sflag:$0x1] =	stream.linear.gather @!p0 [hbm4b:s15+s24], $0x80, $0x38;
	[tilespmem:$0x31C0] =	vst v63  }
0xa7: {  	_ =	swait.ge [sflag:s26], $0x80  }
0xa8: {  	[sflag:s26] =	ssyncset.done $0x0  }
0xa9: {  	[sflag:s26] =	ssyncadd.s32 $0xFFFFFF80  }
0xaa: {  	_ =	swait.ge [sflag:s26], $0x80  }
0xab: {  	[sflag:s26] =	ssyncset.done $0x0  }
0xac: {  	[sflag:s26] =	ssyncadd.s32 $0xFFFFFF80  }
0xad: {  	[tilespmem:s9], [sflag:$0xC] =	stream.indirect.gather [hbm4b:s5+s0], $0x8, s28, s0, $0xb8;
	[tilespmem:$0x31C0] =	vst v63  }
0xae: {  	_ =	swait.ge [sflag:s29], $0x400  }
0xaf: {  	[sflag:s29] =	ssyncset.done $0x0  }
.Ltmp2:
0xb0: {  	[sflag:s29] =	ssyncadd.s32 $0xFFFFFC00;
	(pc) =	sbr.rel @p0 .LBB2_4-.Ltmp2, $4  }
0xb1: {  	[spmem:s3] =	stream.indirect.scatter.add.f32 [tilespmem:s14], [sflag:$0x11], $0x8, s22, s0, $0xb8;
	[tilespmem:$0x31C0] =	vst v63  }
0xb2: {  	s30 =	simm.s32 $0x380;
	s31 =	simm.s32 $0x100;
	_ =	swait.ge [sflag:s2], $0x400  }
0xb3: {  	s7 =	simm.s32 $0x400;
	s20 =	simm.s32 $0xA00;
	[sflag:s2] =	ssyncset.done $0x0  }
0xb4: {  	s19 =	simm.s32 $0x600;
	s9 =	simm.s32 $0x1A00;
	[sflag:s2] =	ssyncadd.s32 $0xFFFFFC00  }
0xb5: {  	s15 =	rddreg [dreg:$0x13]  }
0xb6: {  	s16 =	rddreg [dreg:$0x12];
	s15 =	sadd.s32 s13, s15  }
0xb7: {  	[tilespmem:s0], [sflag:$0x2] =	stream.linear.gather [hbm4b:s15+s4], $0x80, $0x38;
	[tilespmem:$0x31C0] =	vst v63  }
0xb8: {  	s15 =	sadd.s32 s13, s16  }
0xb9: {  	[tilespmem:s30], [sflag:$0x2] =	stream.linear.gather [hbm4b:s15+s4], $0x80, $0x38;
	[tilespmem:$0x31C0] =	vst v63  }
0xba: {  	_ =	swait.ge [sflag:s10], $0x80  }
0xbb: {  	[sflag:s10] =	ssyncset.done $0x0  }
0xbc: {  	[sflag:s10] =	ssyncadd.s32 $0xFFFFFF80  }
0xbd: {  	_ =	swait.ge [sflag:s10], $0x80  }
0xbe: {  	[sflag:s10] =	ssyncset.done $0x0  }
0xbf: {  	[sflag:s10] =	ssyncadd.s32 $0xFFFFFF80  }
0xc0: {  	[tilespmem:s19], [sflag:$0x7] =	stream.indirect.gather [hbm4b:s5+s0], $0x8, s4, s0, $0xb8;
	[tilespmem:$0x31C0] =	vst v63  }
0xc1: {  	_ =	swait.ge [sflag:s1], $0x400  }
0xc2: {  	[sflag:s1] =	ssyncset.done $0x0  }
0xc3: {  	s14 =	simm.s32 $0x580;
	[sflag:s1] =	ssyncadd.s32 $0xFFFFFC00  }
0xc4: {  	[spmem:s3] =	stream.indirect.scatter.add.f32 [tilespmem:s9], [sflag:$0x12], $0x8, s14, s0, $0xb8;
	[tilespmem:$0x31C0] =	vst v63  }
0xc5: {  	_ =	swait.ge [sflag:s8], $0x400  }
0xc6: {  	[sflag:s8] =	ssyncset.done $0x0;
	s24 =	rddreg [dreg:$0x11]  }
0xc7: {  	[sflag:s8] =	ssyncadd.s32 $0xFFFFFC00;
	s15 =	sadd.s32 s13, s24  }
0xc8: {  	[tilespmem:s31], [sflag:$0x3] =	stream.linear.gather [hbm4b:s15+s4], $0x80, $0x38;
	[tilespmem:$0x31C0] =	vst v63  }
0xc9: {  	s31 =	rddreg [dreg:$0x10]  }
0xca: {  	s15 =	sadd.s32 s13, s31  }
0xcb: {  	[tilespmem:s7], [sflag:$0x3] =	stream.linear.gather [hbm4b:s15+s4], $0x80, $0x38;
	[tilespmem:$0x31C0] =	vst v63  }
0xcc: {  	_ =	swait.ge [sflag:s12], $0x80  }
0xcd: {  	s11 =	sadd.s32 $0x300, s11;
	[sflag:s12] =	ssyncset.done $0x0  }
.Ltmp3:
0xce: {  	s16 =	simm.s32 $0x380;
	[sflag:s12] =	ssyncadd.s32 $0xFFFFFF80;
	(pc) =	sbr.rel .LBB2_2-.Ltmp3, $4  }
0xcf: {  	s30 =	simm.s32 $0x400;
	s19 =	simm.s32 $0xA00;
	_ =	swait.ge [sflag:s12], $0x80  }
0xd0: {  	s9 =	simm.s32 $0x1A00;
	s24 =	simm.s32 $0x100;
	[sflag:s12] =	ssyncset.done $0x0  }
0xd1: {  	s13 =	sadd.s32 $0x60, s13;
	s7 =	simm.s32 $0x600;
	[sflag:s12] =	ssyncadd.s32 $0xFFFFFF80  }
0xd2: {  	[tilespmem:s20], [sflag:$0x8] =	stream.indirect.gather [hbm4b:s5+s0], $0x8, s0, s0, $0xb8;
	[tilespmem:$0x31C0] =	vst v63  }
.LBB2_5:
0xd3: {  	_ =	sfence.sel $0x180000  }
0xd4: {  	[bflag:$0x0] =	sbarrier.arrive $0xFFFF  }
0xd5: {  	_ =	strace $0x90000047  }
0xd6: {  	s0 =	stileid.u32;
	[bflag:$0x2] =	sbarrier.arrive $0xFFFF  }
0xd7: {  	p0 =	sne.s32 s0, $0x0;
	s0 =	rddreg [dreg:$0x3]  }
0xd8: {  	s0 =	sadd.s32 @!p0 $0x100000, s0  }
0xd9: {  	[sflag:s0] =	ssyncadd.tile.s32 @!p0 $0x1;
	_ =	shalt  }
.Lfunc_end2:
_tile_overlayer_lowered:
.L_overlay_start_2:
0xda: {  	(tag) =	ssettag $0x2  }
0xdb: {  	s0 =	rddreg [dreg:$0x0];
	s2 =	stileid.u32  }
0xdc: {  	s1 =	rddreg [dreg:$0x1];
	p0 =	sne.s32 s2, $0x0  }
0xdd: {  	s3 =	rddreg [dreg:$0x2];
	[bflag:$0x3] =	sbarrier.arrive $0xFFFF;
	s2 =	simm.s32 @!p0 $0x1C13  }
0xde: {  	[timem:s3], [sflag:s2] =	dma.local @!p0 [hbm:s0], s1  }
0xdf: {  	s0 =	simm.s32 @!p0 $0x13  }
0xe0: {  	_ =	swait.ge @!p0 [sflag:s0], s1  }
0xe1: {  	s1 =	ssub.s32 @!p0 $0x0, s1;
	[sflag:s0] =	ssyncset.done @!p0 $0x0  }
0xe2: {  	[sflag:s0] =	ssyncadd.s32 @!p0 s1  }
0xe3: {  	[bflag:$0x3] =	sbarrier.arrive $0xFFFF  }
0xe4: {  	_ =	shalt  }

// kernel: kernel.9.cloned.1.call-start
scs
__scs_entry_jumppad:
0x0: {  	(pc) =	sbr.rel $0x88, $3  }
0x1: {  	(tag) =	ssettag $0x0;
	lr =	simm.s32 $0x1  }
0x2: {  	[smem:$0x3F91] =	sst lr;
	_ =	strace $0xD0000000  }
0x3: {  	_ = 	snop  }
0x4: {  	_ = 	snop  }
0x5: {  	_ = 	snop  }
0x6: {  	_ = 	snop  }
0x7: {  	_ = 	snop  }
__scs_overlays_trampoline_lowered:
0x8: {  	[smem:$0x3FA0] =	sst s0  }
0x9: {  	[smem:$0x3FA1] =	sst s1  }
0xa: {  	[smem:$0x3FA2] =	sst s2  }
0xb: {  	[smem:$0x3FA3] =	sst s3  }
0xc: {  	[smem:$0x3FA4] =	sst s4  }
0xd: {  	[smem:$0x3FA5] =	sst s5  }
0xe: {  	[smem:$0x3FA6] =	sst s6  }
0xf: {  	[smem:$0x3FA7] =	sst s7  }
0x10: {  	[smem:$0x3FA8] =	sst s8  }
0x11: {  	[smem:$0x3FA9] =	sst s9;
	s0 =	simm.s32 @!p0 $0x0  }
0x12: {  	s1 =	sld [smem:$0x3F8F];
	s0 =	simm.s32 @p0 $0x1  }
0x13: {  	[smem:$0x3FAA] =	sst s0;
	s0 =	simm.s32 @!p1 $0x0  }
0x14: {  	s2 =	sld [smem:$0x3F8E];
	s0 =	simm.s32 @p1 $0x1  }
0x15: {  	[smem:$0x3FAB] =	sst s0;
	s0 =	simm.s32 @!p2 $0x0  }
0x16: {  	s3 =	sld [smem:$0x3FDB];
	s0 =	simm.s32 @p2 $0x1  }
0x17: {  	s4 =	simm.s32 $0x1BF5;
	[smem:$0x3FAD] =	sst s0  }
0x18: {  	s0 =	sld [smem:$0x3F90];
	_ =	swait.ge [sflag:s4], $0x0  }
0x19: {  	s7 =	sld [smem:$0x3F91]  }
0x1a: {  	s8 =	sadd.s32 $0xFFFFE003, lr  }
0x1b: {  	s9 =	sadd.s32 $0xFFFFFEF7, lr;
	s5 =	simm.s32 $0xFFFFFFFF;
	p2 =	slt.u32 s8, $0xFFFFF086  }
0x1c: {  	p1 =	slt.u32 s9, $0xF7A;
	s5 =	simm.s32 @!p2 $0x0  }
0x1d: {  	s5 =	simm.s32 @p1 $0x1;
	p0 =	seq.s32 s7, s2  }
0x1e: {  	s7 =	smul.u32 @!p0 $0xF7A, s2;
	p2 =	seq.s32 @!p0 s5, $0x0  }
0x1f: {  	s9 =	smul.u32 $0xF7A, s1;
	s8 =	simm.s32 @!p0 $0x1BF5;
	p2 =	por !p2, p0  }
0x20: {  	[sflag:s8] =	ssyncset.s32 @!p0 $0xFFFFF086;
	s6 =	sadd.s32 @!p0 s3, s7;
	s7 =	simm.s32 @!p0 $0x108  }
0x21: {  	s3 =	sadd.s32 s3, s9;
	s6 =	sadd.s32 @!p0 $0x88, s6;
	s7 =	simm.s32 @p2 $0x1082  }
0x22: {  	[simem:s7], [sflag:s8] =	dma.local @!p0 [hbm:s6], $0xF7A  }
0x23: {  	s9 =	sor.u32 $0xD0000000, s2;
	s6 =	simm.s32 $0x108;
	_ =	swait.ge @!p0 [sflag:s8], $0x0  }
0x24: {  	s3 =	sadd.s32 $0x88, s3;
	s6 =	simm.s32 @!p1 $0x1082;
	[sflag:s4] =	ssyncset.s32 $0xFFFFF086  }
0x25: {  	[simem:s6], [sflag:s4] =	dma.local [hbm:s3], $0xF7A  }
0x26: {  	[smem:$0x3F91] =	sst s1;
	(tag) =	ssettag s2;
	_ =	strace s9  }
0x27: {  	s1 =	sld [smem:$0x3FA1]  }
0x28: {  	s2 =	sld [smem:$0x3FA2]  }
0x29: {  	s4 =	sld [smem:$0x3FA4]  }
0x2a: {  	p0 =	seq.s32 s5, $0x0;
	s5 =	sld [smem:$0x3FA5]  }
0x2b: {  	s6 =	sld [smem:$0x3FA6]  }
0x2c: {  	s7 =	sld [smem:$0x3FA7]  }
0x2d: {  	s3 =	simm.s32 $0x108;
	s8 =	sld [smem:$0x3FA8]  }
0x2e: {  	s3 =	simm.s32 @!p0 $0x1082;
	s9 =	sld [smem:$0x3FA9]  }
0x2f: {  	lr =	sadd.s32 s0, s3;
	s0 =	sld [smem:$0x3FA0]  }
0x30: {  	s3 =	sld [smem:$0x3FA3]  }
0x31: {  	[smem:$0x3FAC] =	sst s10  }
0x32: {  	s10 =	sld [smem:$0x3FAA];
	_ =	sdelay $0x3  }
0x33: {  	p0 =	seq.s32 s10, $0x1;
	s10 =	sld [smem:$0x3FAC];
	_ =	sdelay $0x3  }
0x34: {  	[smem:$0x3FAC] =	sst s10  }
0x35: {  	s10 =	sld [smem:$0x3FAB];
	_ =	sdelay $0x3  }
0x36: {  	p1 =	seq.s32 s10, $0x1;
	s10 =	sld [smem:$0x3FAC];
	_ =	sdelay $0x3  }
0x37: {  	[smem:$0x3FAC] =	sst s10  }
0x38: {  	s10 =	sld [smem:$0x3FAD]  }
0x39: {  	_ = 	snop;
	(pc) =	sbr.ind lr, $3  }
0x3a: {  	_ = 	snop  }
0x3b: {  	_ = 	snop  }
0x3c: {  	p2 =	seq.s32 s10, $0x1;
	s10 =	sld [smem:$0x3FAC]  }
0x3d: {  	_ =	shalt  }
0x3e: {  	_ =	shalt  }
0x3f: {  	_ =	shalt  }
0x40: {  	_ =	shalt  }
0x41: {  	_ =	shalt  }
0x42: {  	_ =	shalt  }
0x43: {  	_ =	shalt  }
0x44: {  	_ =	shalt  }
0x45: {  	_ =	shalt  }
0x46: {  	_ =	shalt  }
0x47: {  	_ =	shalt  }
0x48: {  	_ =	shalt  }
0x49: {  	_ =	shalt  }
0x4a: {  	_ =	shalt  }
0x4b: {  	_ =	shalt  }
0x4c: {  	_ =	shalt  }
0x4d: {  	_ =	shalt  }
0x4e: {  	_ =	shalt  }
0x4f: {  	_ =	shalt  }
0x50: {  	_ =	shalt  }
0x51: {  	_ =	shalt  }
0x52: {  	_ =	shalt  }
0x53: {  	_ =	shalt  }
0x54: {  	_ =	shalt  }
0x55: {  	_ =	shalt  }
0x56: {  	_ =	shalt  }
0x57: {  	_ =	shalt  }
0x58: {  	_ =	shalt  }
0x59: {  	_ =	shalt  }
0x5a: {  	_ =	shalt  }
0x5b: {  	_ =	shalt  }
0x5c: {  	_ =	shalt  }
0x5d: {  	_ =	shalt  }
0x5e: {  	_ =	shalt  }
0x5f: {  	_ =	shalt  }
0x60: {  	_ =	shalt  }
0x61: {  	_ =	shalt  }
0x62: {  	_ =	shalt  }
0x63: {  	_ =	shalt  }
0x64: {  	_ =	shalt  }
0x65: {  	_ =	shalt  }
0x66: {  	_ =	shalt  }
0x67: {  	_ =	shalt  }
0x68: {  	_ =	shalt  }
0x69: {  	_ =	shalt  }
0x6a: {  	_ =	shalt  }
0x6b: {  	_ =	shalt  }
0x6c: {  	_ =	shalt  }
0x6d: {  	_ =	shalt  }
0x6e: {  	_ =	shalt  }
0x6f: {  	_ =	shalt  }
0x70: {  	_ =	shalt  }
0x71: {  	_ =	shalt  }
0x72: {  	_ =	shalt  }
0x73: {  	_ =	shalt  }
0x74: {  	_ =	shalt  }
0x75: {  	_ =	shalt  }
0x76: {  	_ =	shalt  }
0x77: {  	_ =	shalt  }
0x78: {  	_ =	shalt  }
0x79: {  	_ =	shalt  }
0x7a: {  	_ =	shalt  }
0x7b: {  	_ =	shalt  }
0x7c: {  	_ =	shalt  }
0x7d: {  	_ =	shalt  }
0x7e: {  	_ =	shalt  }
0x7f: {  	_ =	shalt  }
0x80: {  	_ =	shalt  }
0x81: {  	_ =	shalt  }
0x82: {  	_ =	shalt  }
0x83: {  	_ =	shalt  }
0x84: {  	_ =	shalt  }
0x85: {  	_ =	shalt  }
0x86: {  	_ =	shalt  }
0x87: {  	_ =	shalt  }
.Lfunc_end0:
.L_simem_size_0:
called_computation.1_lowered:
.L_overlay_start_0:
0x88: {  	s2 =	sld [smem:$0x3FD9]  }
0x89: {  	s3 =	sld [smem:$0x3FFE];
	_ =	sdelay $0x1  }
0x8a: {  	s1 =	srdreg.scid  }
0x8b: {  	s0 =	sand.u32 $0x1, s1  }
0x8c: {  	s16 =	sshll.u32 s0, $0xA;
	s2 =	sadd.s32 s3, s2  }
0x8d: {  	s2 =	sadd.s32 s2, s16  }
0x8e: {  	[smem:$0x3FB8] =	sst s2  }
0x8f: {  	_ = 	snop  }
0x90: {  	(tm) =	ssettm $0x1  }
0x91: {  	s17 =	sld [smem:$0x3FFB];
	_ =	sdelay $0x3  }
0x92: {  	_ =	strace s17  }
0x93: {  	s2 =	sld [smem:$0x3FFC];
	_ =	sdelay $0x3  }
0x94: {  	_ =	strace s2  }
0x95: {  	s2 =	sld [smem:$0x3FFD];
	_ =	sdelay $0x3  }
0x96: {  	_ =	strace s2  }
0x97: {  	_ =	strace $0x8FFFFFFF  }
0x98: {  	s18 =	sld [smem:$0x3FDB];
	_ =	sdelay $0x1  }
0x99: {  	s19 =	simm.s32 $_scs_section_size  }
0x9a: {  	s4 =	simm.s32 $_size__tile_overlayer_lowered;
	s5 =	simm.s32 $_tile_overlayer_lowered  }
0x9b: {  	s22 =	simm.s32 $0x1BFF;
	s21 =	sshll.u32 s5, $0x1;
	s2 =	sadd.s32 s19, s18  }
0x9c: {  	s6 =	simm.s32 $0x0;
	s20 =	sshll.u32 s4, $0x1;
	s4 =	sadd.s32 s21, s2  }
0x9d: {  	[timem:s6], [sflag:s22] =	dma.local [hbm:s4], s20  }
0x9e: {  	_ =	swait.ge [sflag:s22], s20  }
0x9f: {  	s3 =	ssub.s32 $0x0, s20;
	[sflag:s22] =	ssyncset.done $0x0  }
0xa0: {  	[sflag:s22] =	ssyncadd.s32 s3;
	_ =	sdelay $0x1  }
0xa1: {  	s23 =	simm.s32 $0x1B8B  }
0xa2: {  	_ =	swait.ge [sflag:s23], $0x1  }
0xa3: {  	[sflag:s23] =	ssyncset.done $0x0  }
0xa4: {  	s25 =	simm.s32 $0x1B8E;
	s24 =	sld [smem:$0x3FFE];
	[sflag:s23] =	ssyncadd.s32 $0xFFFFFFFF  }
0xa5: {  	s26 =	simm.s32 $execute0_lowered;
	[smem:$0x3FD2] =	sst s25  }
0xa6: {  	s4 =	sshll.u32 s26, $0x1;
	_ =	strace $0x80000049;
	[dreg:$0x1] =	wrdreg $0xFFFFFFFF  }
0xa7: {  	s28 =	simm.s32 $_size_execute0_lowered;
	s2 =	sadd.s32 s2, s4;
	[dreg:$0x0] =	wrdreg $0x0  }
0xa8: {  	s4 =	sshll.u32 s28, $0x1;
	[dreg:$0x2] =	wrdreg s2  }
0xa9: {  	[dreg:$0x3] =	wrdreg s4  }
0xaa: {  	[dreg:$0x4] =	wrdreg $0xC0  }
0xab: {  	_ =	task [dreg:s6], $0x5FFFF  }
0xac: {  	[dreg:$0x1] =	wrdreg $0xFFFFFFFF  }
0xad: {  	[dreg:$0x0] =	wrdreg $0x60  }
0xae: {  	[dreg:$0x2] =	wrdreg s24  }
0xaf: {  	[dreg:$0x3] =	wrdreg $0xC3000  }
0xb0: {  	[dreg:$0x4] =	wrdreg $0x9  }
0xb1: {  	_ =	task.clear_ibuf [dreg:s6], $0x5FFFF;
	_ =	strace $0x90000049  }
0xb2: {  	s29 =	simm.s32 $0x9;
	_ =	strace $0x8000004B  }
0xb3: {  	_ =	swait.ge [sflag:s29], $0x1  }
0xb4: {  	[sflag:s29] =	ssyncadd.s32 $0xFFFFFFFF  }
0xb5: {  	_ =	strace $0x9000004B  }
0xb6: {  	_ =	sfence  }
0xb7: {  	s30 =	sld [smem:$0x0];
	_ =	sdelay $0x2  }
0xb8: {  	s31 =	sshll.u32 s1, $0xD;
	s1 =	sshrl.u32 s1, $0x2  }
0xb9: {  	s3 =	sand.u32 $0x4000, s31;
	s1 =	sadd.s32 s1, s30  }
0xba: {  	s0 =	sor.u32 s3, s0;
	s1 =	sshll.u32 s1, $0x11  }
0xbb: {  	s0 =	sor.u32 s1, s0  }
0xbc: {  	s0 =	sadd.s32 $0x8F2B, s0  }
0xbd: {  	[sflag:s0] =	ssyncadd.remote.s32 $0x1  }
0xbe: {  	_ =	sfence.sel $0xFFFF  }
0xbf: {  	[dreg:$0x0] =	wrdreg $0xFFFFFFFF;
	(pc) =	sbr.abs _section_cstart, $3  }
0xc0: {  	[dreg:$0x1] =	wrdreg $0xFFFFFFFF  }
0xc1: {  	_ =	task.clear_ibuf [dreg:s6], $0x2FFFF;
	_ =	strace $0x9FFFFFFF  }
0xc2: {  	(tm) =	ssettm $0x7FFFFFFF  }
0xc3: {  	_ =	shalt  }
tec
execute0_lowered:
.L_overlay_start_1:
0x0: {  	(tag) =	ssettag $0x1  }
0x1: {  	s0 =	rddreg [dreg:$0x0]  }
0x2: {  	s1 =	rddreg [dreg:$0x1];
	s2 =	srdreg.scid;
	s3 =	simm.s32 $0x0  }
0x3: {  	s11 =	stileid.u32;
	s28 =	simm.s32 $0x5;
	s29 =	simm.s32 $0x200  }
0x4: {  	s30 =	simm.s32 $0x7;
	s31 =	simm.s32 $0x3;
	s2 =	sand.u32 $0x1, s2  }
0x5: {  	[smem:$0x7FF] =	sst s3;
	s8 =	smul.u32 $0x13C00, s11;
	s4 =	sadd.s32 $0x34200, s0  }
0x6: {  	s5 =	sadd.s32 $0x1E200, s0;
	s6 =	sadd.s32 $0x29200, s0;
	s16 =	sadd.s32 $0x1A00, s0  }
0x7: {  	s17 =	sshll.u32 s11, $0x1;
	s10 =	smul.u32 $0x4F000, s11;
	s21 =	sshll.u32 s11, $0x6  }
0x8: {  	s11 =	simm.s32 $0x0;
	s7 =	smul.u32 $0x13C000, s2;
	_ =	strace $0x8000004A  }
0x9: {  	[dreg:$0x3] =	wrdreg s16;
	s9 =	ssub.s32 $0x2, s2;
	s2 =	sor.u32 s2, s17  }
0xa: {  	s17 =	simm.s32 $0xA;
	s18 =	sshrl.u32 s9, $0x1;
	s20 =	sshrl.u32 s10, $0x2  }
0xb: {  	s7 =	sadd.s32 s8, s7;
	s8 =	smul.u32 $0x2C00, s2;
	s19 =	ssub.s32 s9, s18  }
0xc: {  	s9 =	sor.u32 $0x1C0A, s21;
	s18 =	simm.s32 $0x180;
	s21 =	simm.s32 $0x300  }
0xd: {  	s2 =	simm.s32 $0x6;
	s7 =	sshrl.u32 s7, $0x3;
	s26 =	smax.u32 s19, $0x1  }
0xe: {  	s19 =	simm.s32 $0x80;
	s0 =	sadd.s32 s7, s0;
	s7 =	sadd.s32 s20, s1  }
0xf: {  	s22 =	sshrl.u32 s8, $0x3;
	[dreg:$0x9] =	wrdreg s26;
	s20 =	simm.s32 $0x1  }
0x10: {  	s26 =	simm.s32 $0x4300;
	s23 =	sadd.s32 s5, s22;
	s24 =	sadd.s32 s6, s22  }
0x11: {  	s10 =	sor.u32 $0x10, s22;
	s0 =	sadd.s32 $0x5BA00, s0;
	s16 =	sshrl.u32 s7, $0x3  }
.Ltmp0:
0x12: {  	s22 =	simm.s32 $0x4;
	[dreg:$0x4] =	wrdreg s23;
	(pc) =	sbr.rel .LBB2_1-.Ltmp0, $4  }
0x13: {  	s7 =	simm.s32 $0x8;
	[dreg:$0x5] =	wrdreg s24;
	s25 =	sadd.s32 s5, s10  }
0x14: {  	s10 =	sadd.s32 s6, s10;
	[dreg:$0x8] =	wrdreg s0;
	s23 =	simm.s32 $0x100  }
0x15: {  	s24 =	simm.s32 $0x280;
	s0 =	simm.s32 $0x8300;
	[dreg:$0x6] =	wrdreg s25  }
0x16: {  	[dreg:$0x7] =	wrdreg s10;
	s25 =	simm.s32 $0x2;
	s10 =	simm.s32 $0x9  }
.LBB2_4:
0x17: {  	_ =	swait.ge [sflag:s10], $0x4000  }
0x18: {  	[sflag:s10] =	ssyncset.done $0x0  }
0x19: {  	[sflag:s10] =	ssyncadd.s32 $0xFFFFC000  }
0x1a: {  	[bflag:$0x0] =	sbarrier.arrive $0xFFFF  }
0x1b: {  	s12 =	rddreg [dreg:$0x8]  }
0x1c: {  	[hbm:s12], [sflag:s9] =	dma.local [spmem:s16], $0x2780  }
0x1d: {  	_ =	swait.ge [sflag:s17], $0x2780  }
0x1e: {  	s11 =	sadd.s32 $0x1, s11;
	s15 =	rddreg [dreg:$0x9]  }
0x1f: {  	p0 =	sne.s32 s11, s15  }
.Ltmp1:
0x20: {  	_ = 	snop;
	(pc) =	sbr.rel @!p0 .LBB2_5-.Ltmp1, $3  }
0x21: {  	_ =	sdelay $0x1  }
0x22: {  	[sflag:s17] =	ssyncset.done $0x0  }
0x23: {  	[sflag:s17] =	ssyncadd.s32 $0xFFFFD880  }
.LBB2_1:
0x24: {  	s12 =	rddreg [dreg:$0x3]  }
0x25: {  	[spmem:s16], [sflag:s9] =	dma.local [hbm:s12], $0x2780  }
0x26: {  	_ =	swait.ge [sflag:s17], $0x2780  }
0x27: {  	[sflag:s17] =	ssyncset.done $0x0  }
0x28: {  	[sflag:s17] =	ssyncadd.s32 $0xFFFFD880  }
0x29: {  	[bflag:$0x0] =	sbarrier.arrive $0xFFFF  }
0x2a: {  	s15 =	rddreg [dreg:$0x4]  }
0x2b: {  	[tilespmem:s3], [sflag:$0x1] =	stream.linear.gather [hbm4b:s15+s3], $0x80, $0x38;
	[tilespmem:$0x1FF00] =	vst v63  }
0x2c: {  	s13 =	rddreg [dreg:$0x5]  }
0x2d: {  	[tilespmem:s18], [sflag:$0x1] =	stream.linear.gather [hbm4b:s13+s3], $0x80, $0x38;
	[tilespmem:$0x1FF00] =	vst v63  }
0x2e: {  	s14 =	rddreg [dreg:$0x6]  }
0x2f: {  	[tilespmem:s19], [sflag:$0x2] =	stream.linear.gather [hbm4b:s14+s3], $0x80, $0x38;
	[tilespmem:$0x1FF00] =	vst v63  }
0x30: {  	s15 =	rddreg [dreg:$0x7]  }
0x31: {  	[tilespmem:s29], [sflag:$0x2] =	stream.linear.gather [hbm4b:s15+s3], $0x80, $0x38;
	[tilespmem:$0x1FF00] =	vst v63  }
0x32: {  	_ =	swait.ge [sflag:s20], $0x80  }
0x33: {  	[sflag:s20] =	ssyncset.done $0x0  }
0x34: {  	[sflag:s20] =	ssyncadd.s32 $0xFFFFFF80  }
0x35: {  	_ =	swait.ge [sflag:s20], $0x80  }
0x36: {  	[sflag:s20] =	ssyncset.done $0x0  }
0x37: {  	s12 =	simm.s32 $0x200;
	[sflag:s20] =	ssyncadd.s32 $0xFFFFFF80  }
0x38: {  	[tilespmem:s21], [sflag:$0x4] =	stream.indirect.gather [hbm4b:s4+s19], $0x80, s3, s19, $0xb8;
	[tilespmem:$0x1FF00] =	vst v63  }
.LBB2_2:
0x39: {  	_ =	swait.ge [sflag:s22], $0x4000;
	s13 =	sadd.s32 $0xFFFFFF00, s12;
	p0 =	seq.s32 s12, $0x200  }
0x3a: {  	[sflag:s22] =	ssyncset.done $0x0;
	s14 =	sand.u32 $0x7C00, s13;
	s15 =	simm.s32 @!p0 $0x9  }
0x3b: {  	s13 =	sand.u32 $0x380, s13;
	[sflag:s22] =	ssyncadd.s32 $0xFFFFC000;
	s14 =	sadd.s32 s8, s14  }
0x3c: {  	[spmem:s1] =	stream.indirect.scatter.add.f32 [tilespmem:s21], [sflag:$0x7], $0x80, s18, s19, $0xb8;
	[tilespmem:$0x1FF00] =	vst v63  }
0x3d: {  	s13 =	sor.u32 s13, s14;
	_ =	swait.ge @!p0 [sflag:s15], $0x4000  }
0x3e: {  	s13 =	sshrl.u32 s13, $0x3;
	[sflag:s15] =	ssyncset.done @!p0 $0x0  }
0x3f: {  	[sflag:s15] =	ssyncadd.s32 @!p0 $0xFFFFC000;
	s15 =	sadd.s32 s5, s13  }
0x40: {  	[tilespmem:s23], [sflag:$0x3] =	stream.linear.gather [hbm4b:s15+s3], $0x80, $0x38;
	[tilespmem:$0x1FF00] =	vst v63  }
0x41: {  	s13 =	sadd.s32 s6, s13  }
0x42: {  	[tilespmem:s24], [sflag:$0x3] =	stream.linear.gather [hbm4b:s13+s3], $0x80, $0x38;
	[tilespmem:$0x1FF00] =	vst v63  }
0x43: {  	_ =	swait.ge [sflag:s25], $0x80  }
0x44: {  	[sflag:s25] =	ssyncset.done $0x0  }
0x45: {  	[sflag:s25] =	ssyncadd.s32 $0xFFFFFF80  }
0x46: {  	_ =	swait.ge [sflag:s25], $0x80  }
0x47: {  	[sflag:s25] =	ssyncset.done $0x0  }
0x48: {  	p0 =	seq.s32 s12, $0x2A80;
	[sflag:s25] =	ssyncadd.s32 $0xFFFFFF80  }
0x49: {  	[tilespmem:s26], [sflag:$0x5] =	stream.indirect.gather [hbm4b:s4+s19], $0x80, s19, s19, $0xb8;
	[tilespmem:$0x1FF00] =	vst v63  }
0x4a: {  	s13 =	sadd.s32 @!p0 $0xFFFFFF80, s12;
	_ =	swait.ge [sflag:s28], $0x4000  }
0x4b: {  	s14 =	sand.u32 @!p0 $0x7C00, s13;
	[sflag:s28] =	ssyncset.done $0x0  }
0x4c: {  	s13 =	sand.u32 @!p0 $0x380, s13;
	s14 =	sadd.s32 @!p0 s8, s14;
	[sflag:s28] =	ssyncadd.s32 $0xFFFFC000  }
0x4d: {  	[spmem:s1] =	stream.indirect.scatter.add.f32 [tilespmem:s26], [sflag:$0x8], $0x80, s29, s19, $0xb8;
	[tilespmem:$0x1FF00] =	vst v63  }
0x4e: {  	s13 =	sor.u32 @!p0 s13, s14;
	_ =	swait.ge [sflag:s30], $0x4000  }
0x4f: {  	s13 =	sshrl.u32 @!p0 s13, $0x3;
	[sflag:s30] =	ssyncset.done $0x0  }
0x50: {  	s15 =	simm.s32 @!p0 $0x0;
	s14 =	sadd.s32 @!p0 s5, s13;
	[sflag:s30] =	ssyncadd.s32 $0xFFFFC000  }
0x51: {  	[tilespmem:s15], [sflag:$0x1] =	stream.linear.gather @!p0 [hbm4b:s14+s15], $0x80, $0x38;
	[tilespmem:$0x1FF00] =	vst v63  }
0x52: {  	s13 =	sadd.s32 @!p0 s6, s13;
	s14 =	simm.s32 @!p0 $0x180  }
0x53: {  	[tilespmem:s14], [sflag:$0x1] =	stream.linear.gather @!p0 [hbm4b:s13+s15], $0x80, $0x38;
	[tilespmem:$0x1FF00] =	vst v63  }
0x54: {  	_ =	swait.ge [sflag:s31], $0x80  }
0x55: {  	[sflag:s31] =	ssyncset.done $0x0  }
0x56: {  	[sflag:s31] =	ssyncadd.s32 $0xFFFFFF80  }
0x57: {  	_ =	swait.ge [sflag:s31], $0x80  }
0x58: {  	[sflag:s31] =	ssyncset.done $0x0  }
0x59: {  	[sflag:s31] =	ssyncadd.s32 $0xFFFFFF80  }
0x5a: {  	[tilespmem:s0], [sflag:$0x6] =	stream.indirect.gather [hbm4b:s4+s19], $0x80, s23, s19, $0xb8;
	[tilespmem:$0x1FF00] =	vst v63  }
0x5b: {  	_ =	swait.ge [sflag:s2], $0x4000  }
0x5c: {  	[sflag:s2] =	ssyncset.done $0x0  }
.Ltmp2:
0x5d: {  	[sflag:s2] =	ssyncadd.s32 $0xFFFFC000;
	(pc) =	sbr.rel @p0 .LBB2_4-.Ltmp2, $4  }
0x5e: {  	[spmem:s1] =	stream.indirect.scatter.add.f32 [tilespmem:s0], [sflag:$0x9], $0x80, s24, s19, $0xb8;
	[tilespmem:$0x1FF00] =	vst v63  }
0x5f: {  	_ =	swait.ge [sflag:s7], $0x4000  }
0x60: {  	[sflag:s7] =	ssyncset.done $0x0  }
0x61: {  	[sflag:s7] =	ssyncadd.s32 $0xFFFFC000  }
0x62: {  	s13 =	sand.u32 $0x7C00, s12  }
0x63: {  	s14 =	sand.u32 $0x380, s12;
	s13 =	sadd.s32 s8, s13  }
0x64: {  	s13 =	sor.u32 s14, s13  }
0x65: {  	s13 =	sshrl.u32 s13, $0x3  }
0x66: {  	s15 =	sadd.s32 s5, s13  }
0x67: {  	[tilespmem:s19], [sflag:$0x2] =	stream.linear.gather [hbm4b:s15+s3], $0x80, $0x38;
	[tilespmem:$0x1FF00] =	vst v63  }
0x68: {  	s13 =	sadd.s32 s6, s13  }
0x69: {  	[tilespmem:s29], [sflag:$0x2] =	stream.linear.gather [hbm4b:s13+s3], $0x80, $0x38;
	[tilespmem:$0x1FF00] =	vst v63  }
0x6a: {  	_ =	swait.ge [sflag:s20], $0x80  }
0x6b: {  	[sflag:s20] =	ssyncset.done $0x0  }
.Ltmp3:
0x6c: {  	[sflag:s20] =	ssyncadd.s32 $0xFFFFFF80;
	(pc) =	sbr.rel .LBB2_2-.Ltmp3, $4  }
0x6d: {  	_ =	swait.ge [sflag:s20], $0x80  }
0x6e: {  	[sflag:s20] =	ssyncset.done $0x0  }
0x6f: {  	s12 =	sadd.s32 $0x180, s12;
	[sflag:s20] =	ssyncadd.s32 $0xFFFFFF80  }
0x70: {  	[tilespmem:s21], [sflag:$0x4] =	stream.indirect.gather [hbm4b:s4+s19], $0x80, s3, s19, $0xb8;
	[tilespmem:$0x1FF00] =	vst v63  }
.LBB2_5:
0x71: {  	_ =	sfence.sel $0x180000  }
0x72: {  	[bflag:$0x0] =	sbarrier.arrive $0xFFFF  }
0x73: {  	_ =	strace $0x9000004A  }
0x74: {  	s0 =	stileid.u32;
	[bflag:$0x2] =	sbarrier.arrive $0xFFFF  }
0x75: {  	p0 =	sne.s32 s0, $0x0;
	s0 =	rddreg [dreg:$0x2]  }
0x76: {  	s0 =	sadd.s32 @!p0 $0x100000, s0  }
0x77: {  	[sflag:s0] =	ssyncadd.tile.s32 @!p0 $0x1;
	_ =	shalt  }
.Lfunc_end2:
_tile_overlayer_lowered:
.L_overlay_start_2:
0x78: {  	(tag) =	ssettag $0x2  }
0x79: {  	s0 =	rddreg [dreg:$0x0];
	s2 =	stileid.u32  }
0x7a: {  	s1 =	rddreg [dreg:$0x1];
	p0 =	sne.s32 s2, $0x0  }
0x7b: {  	s3 =	rddreg [dreg:$0x2];
	[bflag:$0x3] =	sbarrier.arrive $0xFFFF;
	s2 =	simm.s32 @!p0 $0x1C0A  }
0x7c: {  	[timem:s3], [sflag:s2] =	dma.local @!p0 [hbm:s0], s1  }
0x7d: {  	s0 =	simm.s32 @!p0 $0xA  }
0x7e: {  	_ =	swait.ge @!p0 [sflag:s0], s1  }
0x7f: {  	s1 =	ssub.s32 @!p0 $0x0, s1;
	[sflag:s0] =	ssyncset.done @!p0 $0x0  }
0x80: {  	[sflag:s0] =	ssyncadd.s32 @!p0 s1  }
0x81: {  	[bflag:$0x3] =	sbarrier.arrive $0xFFFF  }
0x82: {  	_ =	shalt  }

</sc_bundles>
